<compile_context>
chip_gen: v7x
topology: tpu7x:2x2x1
jax: 0.10.2.dev20260603
libtpu: 0.0.44.dev20260713+nightly
codegen_flags: <defaults>
</compile_context>

<pallas_src>
import functools

import jax
import jax.numpy as jnp
from jax import lax
from jax.experimental import pallas as pl
from jax.experimental.pallas import tpu as pltpu
from jax.experimental.pallas import tpu_sc as plsc

_BK = 2736


def _bf16_rtne(x):
    u = lax.bitcast_convert_type(x, jnp.int32)
    r = (u + jnp.int32(0x7FFF) + ((u >> 16) & jnp.int32(1))) & jnp.int32(~0xFFFF)
    return lax.bitcast_convert_type(r, jnp.float32)


def _dist_argmin_kernel(
    zb_ref, cb_ref, fn_ref, cn_ref, kf_ref, idx_ref, loss_ref, minv, mina, accv
):
    kt = pl.program_id(0)
    b = pl.program_id(1)
    nk = pl.num_programs(0)
    nb = pl.num_programs(1)

    neg2cross = jnp.dot(
        cb_ref[...], zb_ref[0], preferred_element_type=jnp.float32
    )
    dist = (neg2cross + fn_ref[0]) + cn_ref[...]
    tmin = jnp.min(dist, axis=0, keepdims=True)
    targ_f = jnp.min(
        jnp.where(dist == tmin, kf_ref[...], jnp.float32(2.0**30)),
        axis=0,
        keepdims=True,
    )
    targ = targ_f.astype(jnp.int32)

    @pl.when(jnp.logical_and(b == 0, kt == 0))
    def _():
        accv[...] = jnp.zeros_like(accv)

    bs = pl.ds(b, 1)

    @pl.when(kt == 0)
    def _():
        minv[bs, :] = _bf16_rtne(tmin)
        mina[bs, :] = targ

    @pl.when(kt != 0)
    def _():
        upd = tmin < minv[bs, :]
        merged = jnp.where(upd, tmin, minv[bs, :])
        mina[bs, :] = jnp.where(upd, targ, mina[bs, :])
        minv[bs, :] = _bf16_rtne(merged)

        @pl.when(kt == nk - 1)
        def _():
            idx_ref[bs, 0, :] = mina[bs, :]
            accv[...] += merged

    @pl.when(jnp.logical_and(b == nb - 1, kt == nk - 1))
    def _():
        loss_ref[...] = accv[...]


def _nearest_indices(zb, cbb, fnorm, cnorm):
    B, D, HW = zb.shape
    K = cbb.shape[0]
    nkt = (K + _BK - 1) // _BK
    grid = (nkt, B)
    kidx_f = jnp.arange(nkt * _BK, dtype=jnp.float32).reshape(-1, 1)
    return pl.pallas_call(
        _dist_argmin_kernel,
        grid=grid,
        in_specs=[
            pl.BlockSpec((1, D, HW), lambda kt, b: (b, 0, 0)),
            pl.BlockSpec((_BK, D), lambda kt, b: (kt, 0)),
            pl.BlockSpec((1, 1, HW), lambda kt, b: (b, 0, 0)),
            pl.BlockSpec((_BK, 1), lambda kt, b: (kt, 0)),
            pl.BlockSpec((_BK, 1), lambda kt, b: (kt, 0)),
        ],
        out_specs=[
            pl.BlockSpec((B, 1, HW), lambda kt, b: (0, 0, 0)),
            pl.BlockSpec((1, HW), lambda kt, b: (0, 0)),
        ],
        out_shape=[
            jax.ShapeDtypeStruct((B, 1, HW), jnp.int32),
            jax.ShapeDtypeStruct((1, HW), jnp.float32),
        ],
        scratch_shapes=[
            pltpu.VMEM((B, HW), jnp.float32),
            pltpu.VMEM((B, HW), jnp.int32),
            pltpu.VMEM((1, HW), jnp.float32),
        ],
        compiler_params=pltpu.CompilerParams(
            dimension_semantics=("arbitrary", "arbitrary"),
        ),
    )(zb, cbb, fnorm, cnorm, kidx_f)


def _make_sc_gather(K, D, N):
    info = plsc.get_sparse_core_info()
    nw = info.num_cores * info.num_subcores
    rows_per_w = N // nw
    chunk = 128
    nchunks = rows_per_w // chunk
    mesh = plsc.VectorSubcoreMesh(core_axis_name="c", subcore_axis_name="s")

    @functools.partial(
        pl.kernel,
        out_type=jax.ShapeDtypeStruct((N, D), jnp.float32),
        mesh=mesh,
        scratch_types=[
            pltpu.VMEM((nchunks, chunk), jnp.int32),
            pltpu.VMEM((chunk, D), jnp.float32),
            pltpu.VMEM((chunk, D), jnp.float32),
            pltpu.SemaphoreType.DMA,
            pltpu.SemaphoreType.DMA,
            pltpu.SemaphoreType.DMA,
            pltpu.SemaphoreType.DMA,
        ],
    )
    def gather(cb_hbm, idx_hbm, out_hbm, idx_v, buf0, buf1, g0, g1, s0, s1):
        wid = lax.axis_index("s") * info.num_cores + lax.axis_index("c")
        base = wid * rows_per_w
        pltpu.sync_copy(idx_hbm.at[wid], idx_v)
        bufs = (buf0, buf1)
        gsems = (g0, g1)
        ssems = (s0, s1)
        gets = [None] * nchunks
        puts = [None] * nchunks
        gets[0] = pltpu.async_copy(cb_hbm.at[idx_v.at[0]], bufs[0], gsems[0])
        for j in range(nchunks):
            gets[j].wait()
            puts[j] = pltpu.async_copy(
                bufs[j % 2], out_hbm.at[pl.ds(base + j * chunk, chunk)],
                ssems[j % 2],
            )
            if j + 1 < nchunks:
                if j >= 1:
                    puts[j - 1].wait()
                gets[j + 1] = pltpu.async_copy(
                    cb_hbm.at[idx_v.at[j + 1]], bufs[(j + 1) % 2],
                    gsems[(j + 1) % 2],
                )
        puts[nchunks - 2].wait()
        puts[nchunks - 1].wait()

    return gather


def kernel(z_e, codebook):
    B, D, H, W = z_e.shape
    HW = H * W
    N = B * HW
    K = codebook.shape[0]

    z3 = z_e.reshape(B, D, HW)
    flat = jnp.transpose(z_e, (0, 2, 3, 1)).reshape(-1, D)
    fnorm = jnp.sum(flat**2, axis=1).reshape(B, 1, HW)
    cnorm = jnp.sum(codebook**2, axis=1).reshape(K, 1)

    nkt = (K + _BK - 1) // _BK
    kpad = nkt * _BK - K
    cb_bf_neg2 = jnp.pad(
        codebook.astype(jnp.bfloat16) * jnp.bfloat16(-2.0), ((0, kpad), (0, 0))
    )
    cnorm_p = jnp.pad(cnorm, ((0, kpad), (0, 0)), constant_values=jnp.inf)
    idx3, loss_vec = _nearest_indices(
        z3.astype(jnp.bfloat16), cb_bf_neg2, fnorm, cnorm_p
    )

    info = plsc.get_sparse_core_info()
    nw = info.num_cores * info.num_subcores
    idx_w = idx3.reshape(nw, (N // nw) // 128, 128)
    zq_rows = _make_sc_gather(K, D, N)(codebook, idx_w)

    z_q = zq_rows.reshape(B, H, W, D).transpose(0, 3, 1, 2)
    loss = jnp.sum(loss_vec) / (N * D)
    return z_q, idx3.reshape(B, H, W), loss

# --- scband reference (transcript-rebuilt; emitter-appended) ---
"""Pipeline reference for scband-vector-quantizer-ema-11020886082297 (READ-ONLY COPY).

The authoritative reference and input builder live on the scoring server;
editing this copy changes nothing except your own understanding.
"""

import jax, jax.numpy as jnp
import numpy as np

K = 8192
D = 256

def setup_inputs(seed: int = 0) -> dict:
    key = jax.random.key(seed)
    k1, k2 = jax.random.split(key)
    z_e = jax.random.normal(k1, (16, 256, 32, 32), dtype=jnp.float32)
    codebook = jax.random.normal(k2, (K, D), dtype=jnp.float32)
    return {"z_e": z_e, "codebook": codebook}

def reference(z_e, codebook):
    B, Dc, H, W = z_e.shape
    flat = jnp.transpose(z_e, (0, 2, 3, 1)).reshape(-1, Dc)
    dist = jnp.sum(flat ** 2, axis=1, keepdims=True) - 2.0 * (flat @ codebook.T) + jnp.sum(codebook ** 2, axis=1)
    idx = jnp.argmin(dist, axis=1)
    z_q = jnp.take(codebook, idx, axis=0).reshape(B, H, W, Dc)
    z_q = jnp.transpose(z_q, (0, 3, 1, 2))
    loss_commit = jnp.mean((jax.lax.stop_gradient(z_e) - z_q) ** 2)
    z_q_st = z_e + jax.lax.stop_gradient(z_q - z_e)
    return (z_q_st, idx.reshape(B, H, W), loss_commit)

if __name__ == "__main__":
    import jax
    _d = setup_inputs()
    print(jax.jit(kernel)(*tuple(_d.values())))

</pallas_src>

<mosaic_0001>
#map = affine_map<(d0, d1) -> (0, 0)>
#map1 = affine_map<(d0, d1) -> (0, 0, 0)>
module attributes {stable_mosaic.version = 14 : i64} {
  func.func @gather(%arg0: i32, %arg1: i32, %arg2: memref<8192x256xf32, #tpu.memory_space<hbm>>, %arg3: memref<32x4x128xi32, #tpu.memory_space<hbm>>, %arg4: memref<16384x256xf32, #tpu.memory_space<hbm>>, %arg5: memref<4x128xi32, #tpu.memory_space<vmem>>, %arg6: memref<128x256xf32, #tpu.memory_space<vmem>>, %arg7: memref<128x256xf32, #tpu.memory_space<vmem>>, %arg8: memref<!tpu.dma_semaphore, #tpu.memory_space<semaphore_mem>>, %arg9: memref<!tpu.dma_semaphore, #tpu.memory_space<semaphore_mem>>, %arg10: memref<!tpu.dma_semaphore, #tpu.memory_space<semaphore_mem>>, %arg11: memref<!tpu.dma_semaphore, #tpu.memory_space<semaphore_mem>>) attributes {dimension_semantics = [#tpu.dimension_semantics<core_parallel>, #tpu.dimension_semantics<subcore_parallel>], iteration_bounds = array<i64: 2, 16>, scalar_prefetch = 0 : i64, scratch_operands = 7 : i64, tpu.core_type = #tpu.core_type<sc_vector_subcore>, window_params = [{transform_indices = #map}, {transform_indices = #map1}, {transform_indices = #map}]} {
    %mul3A = arith.constant 2 : i32
    %mul3A_0 = arith.muli %arg1, %mul3A : i32
    %add3A = arith.addi %mul3A_0, %arg0 : i32
    %mul3A_1 = arith.constant 512 : i32
    %mul3A_2 = arith.muli %add3A, %mul3A_1 : i32
    "tpu.region"() ({
      %run_scoped3A = tpu.sem_alloc : memref<!tpu.dma_semaphore, #tpu.memory_space<semaphore_mem>>
      %dma_start3A_97 = arith.constant 0 : i32
      %dma_start3A_98 = arith.constant 0 : i32
      %dma_start3A_99 = tpu.memref_slice %arg3[%add3A, %dma_start3A_97, %dma_start3A_98] : memref<32x4x128xi32, #tpu.memory_space<hbm>> -> memref<1x4x128xi32, #tpu.memory_space<hbm>>
      %dma_start3A_100 = tpu.memref_squeeze %dma_start3A_99 : memref<1x4x128xi32, #tpu.memory_space<hbm>> -> memref<4x128xi32, #tpu.memory_space<hbm>>
      %dma_start3A_101 = arith.constant 0 : i32
      %dma_start3A_102 = arith.constant 0 : i32
      %dma_start3A_103 = tpu.memref_slice %arg3[%add3A, %dma_start3A_101, %dma_start3A_102] : memref<32x4x128xi32, #tpu.memory_space<hbm>> -> memref<1x4x128xi32, #tpu.memory_space<hbm>>
      %dma_start3A_104 = tpu.memref_squeeze %dma_start3A_103 : memref<1x4x128xi32, #tpu.memory_space<hbm>> -> memref<4x128xi32, #tpu.memory_space<hbm>>
      tpu.enqueue_dma source(%dma_start3A_104 : memref<4x128xi32, #tpu.memory_space<hbm>>) target(%arg5 : memref<4x128xi32, #tpu.memory_space<vmem>>) target_semaphore(%run_scoped3A : memref<!tpu.dma_semaphore, #tpu.memory_space<semaphore_mem>>)
      %dma_wait3A_105 = arith.constant 0 : i32
      %dma_wait3A_106 = arith.constant 0 : i32
      %dma_wait3A_107 = tpu.memref_slice %arg3[%add3A, %dma_wait3A_105, %dma_wait3A_106] : memref<32x4x128xi32, #tpu.memory_space<hbm>> -> memref<1x4x128xi32, #tpu.memory_space<hbm>>
      %dma_wait3A_108 = tpu.memref_squeeze %dma_wait3A_107 : memref<1x4x128xi32, #tpu.memory_space<hbm>> -> memref<4x128xi32, #tpu.memory_space<hbm>>
      %dma_wait3A_109 = arith.constant 0 : i32
      %dma_wait3A_110 = arith.constant 0 : i32
      %dma_wait3A_111 = tpu.memref_slice %arg3[%add3A, %dma_wait3A_109, %dma_wait3A_110] : memref<32x4x128xi32, #tpu.memory_space<hbm>> -> memref<1x4x128xi32, #tpu.memory_space<hbm>>
      %dma_wait3A_112 = tpu.memref_squeeze %dma_wait3A_111 : memref<1x4x128xi32, #tpu.memory_space<hbm>> -> memref<4x128xi32, #tpu.memory_space<hbm>>
      tpu.wait_dma2 semaphore(%run_scoped3A : memref<!tpu.dma_semaphore, #tpu.memory_space<semaphore_mem>>) src(%dma_wait3A_112 : memref<4x128xi32, #tpu.memory_space<hbm>>) dst(%arg5 : memref<4x128xi32, #tpu.memory_space<vmem>>)
      tpu.yield
    }) : () -> ()
    %dma_start3A = arith.constant 0 : i32
    %dma_start3A_3 = arith.constant 0 : i32
    %dma_start3A_4 = tpu.memref_slice %arg5[%dma_start3A, %dma_start3A_3] : memref<4x128xi32, #tpu.memory_space<vmem>> -> memref<1x128xi32, #tpu.memory_space<vmem>>
    %dma_start3A_5 = tpu.memref_squeeze %dma_start3A_4 : memref<1x128xi32, #tpu.memory_space<vmem>> -> memref<128xi32, #tpu.memory_space<vmem>>
    %dma_start3A_6 = arith.constant 0 : i32
    %dma_start3A_7 = arith.constant 0 : i32
    %dma_start3A_8 = tpu.memref_slice %arg2[%dma_start3A_6, %dma_start3A_7] : memref<8192x256xf32, #tpu.memory_space<hbm>> -> memref<8192x256xf32, #tpu.memory_space<hbm>>
    tpu.enqueue_indirect_dma source(%dma_start3A_8 : memref<8192x256xf32, #tpu.memory_space<hbm>>) target(%arg6 : memref<128x256xf32, #tpu.memory_space<vmem>>) offsets(%dma_start3A_5 : memref<128xi32, #tpu.memory_space<vmem>>) semaphore(%arg8 : memref<!tpu.dma_semaphore, #tpu.memory_space<semaphore_mem>>)
    %dma_wait3A = arith.constant 0 : i32
    %dma_wait3A_9 = arith.constant 0 : i32
    %dma_wait3A_10 = tpu.memref_slice %arg5[%dma_wait3A, %dma_wait3A_9] : memref<4x128xi32, #tpu.memory_space<vmem>> -> memref<1x128xi32, #tpu.memory_space<vmem>>
    %dma_wait3A_11 = tpu.memref_squeeze %dma_wait3A_10 : memref<1x128xi32, #tpu.memory_space<vmem>> -> memref<128xi32, #tpu.memory_space<vmem>>
    %dma_wait3A_12 = arith.constant 0 : i32
    %dma_wait3A_13 = arith.constant 0 : i32
    %dma_wait3A_14 = tpu.memref_slice %arg2[%dma_wait3A_12, %dma_wait3A_13] : memref<8192x256xf32, #tpu.memory_space<hbm>> -> memref<8192x256xf32, #tpu.memory_space<hbm>>
    tpu.wait_indirect_dma semaphore(%arg8 : memref<!tpu.dma_semaphore, #tpu.memory_space<semaphore_mem>>) src(%dma_wait3A_14 : memref<8192x256xf32, #tpu.memory_space<hbm>>) dst(%arg6 : memref<128x256xf32, #tpu.memory_space<vmem>>)
    %add3A_15 = arith.constant 0 : i32
    %add3A_16 = arith.addi %mul3A_2, %add3A_15 : i32
    %dma_start3A_17 = arith.constant 0 : i32
    %dma_start3A_18 = tpu.memref_slice %arg4[%add3A_16, %dma_start3A_17] : memref<16384x256xf32, #tpu.memory_space<hbm>> -> memref<128x256xf32, #tpu.memory_space<hbm>>
    %dma_start3A_19 = arith.constant 0 : i32
    %dma_start3A_20 = tpu.memref_slice %arg4[%add3A_16, %dma_start3A_19] : memref<16384x256xf32, #tpu.memory_space<hbm>> -> memref<128x256xf32, #tpu.memory_space<hbm>>
    tpu.enqueue_dma source(%arg6 : memref<128x256xf32, #tpu.memory_space<vmem>>) target(%dma_start3A_20 : memref<128x256xf32, #tpu.memory_space<hbm>>) target_semaphore(%arg10 : memref<!tpu.dma_semaphore, #tpu.memory_space<semaphore_mem>>)
    %dma_start3A_21 = arith.constant 1 : i32
    %dma_start3A_22 = arith.constant 0 : i32
    %dma_start3A_23 = tpu.memref_slice %arg5[%dma_start3A_21, %dma_start3A_22] : memref<4x128xi32, #tpu.memory_space<vmem>> -> memref<1x128xi32, #tpu.memory_space<vmem>>
    %dma_start3A_24 = tpu.memref_squeeze %dma_start3A_23 : memref<1x128xi32, #tpu.memory_space<vmem>> -> memref<128xi32, #tpu.memory_space<vmem>>
    %dma_start3A_25 = arith.constant 0 : i32
    %dma_start3A_26 = arith.constant 0 : i32
    %dma_start3A_27 = tpu.memref_slice %arg2[%dma_start3A_25, %dma_start3A_26] : memref<8192x256xf32, #tpu.memory_space<hbm>> -> memref<8192x256xf32, #tpu.memory_space<hbm>>
    tpu.enqueue_indirect_dma source(%dma_start3A_27 : memref<8192x256xf32, #tpu.memory_space<hbm>>) target(%arg7 : memref<128x256xf32, #tpu.memory_space<vmem>>) offsets(%dma_start3A_24 : memref<128xi32, #tpu.memory_space<vmem>>) semaphore(%arg9 : memref<!tpu.dma_semaphore, #tpu.memory_space<semaphore_mem>>)
    %dma_wait3A_28 = arith.constant 1 : i32
    %dma_wait3A_29 = arith.constant 0 : i32
    %dma_wait3A_30 = tpu.memref_slice %arg5[%dma_wait3A_28, %dma_wait3A_29] : memref<4x128xi32, #tpu.memory_space<vmem>> -> memref<1x128xi32, #tpu.memory_space<vmem>>
    %dma_wait3A_31 = tpu.memref_squeeze %dma_wait3A_30 : memref<1x128xi32, #tpu.memory_space<vmem>> -> memref<128xi32, #tpu.memory_space<vmem>>
    %dma_wait3A_32 = arith.constant 0 : i32
    %dma_wait3A_33 = arith.constant 0 : i32
    %dma_wait3A_34 = tpu.memref_slice %arg2[%dma_wait3A_32, %dma_wait3A_33] : memref<8192x256xf32, #tpu.memory_space<hbm>> -> memref<8192x256xf32, #tpu.memory_space<hbm>>
    tpu.wait_indirect_dma semaphore(%arg9 : memref<!tpu.dma_semaphore, #tpu.memory_space<semaphore_mem>>) src(%dma_wait3A_34 : memref<8192x256xf32, #tpu.memory_space<hbm>>) dst(%arg7 : memref<128x256xf32, #tpu.memory_space<vmem>>)
    %add3A_35 = arith.constant 128 : i32
    %add3A_36 = arith.addi %mul3A_2, %add3A_35 : i32
    %dma_start3A_37 = arith.constant 0 : i32
    %dma_start3A_38 = tpu.memref_slice %arg4[%add3A_36, %dma_start3A_37] : memref<16384x256xf32, #tpu.memory_space<hbm>> -> memref<128x256xf32, #tpu.memory_space<hbm>>
    %dma_start3A_39 = arith.constant 0 : i32
    %dma_start3A_40 = tpu.memref_slice %arg4[%add3A_36, %dma_start3A_39] : memref<16384x256xf32, #tpu.memory_space<hbm>> -> memref<128x256xf32, #tpu.memory_space<hbm>>
    tpu.enqueue_dma source(%arg7 : memref<128x256xf32, #tpu.memory_space<vmem>>) target(%dma_start3A_40 : memref<128x256xf32, #tpu.memory_space<hbm>>) target_semaphore(%arg11 : memref<!tpu.dma_semaphore, #tpu.memory_space<semaphore_mem>>)
    %dma_wait3A_41 = arith.constant 0 : i32
    %dma_wait3A_42 = tpu.memref_slice %arg4[%add3A_16, %dma_wait3A_41] : memref<16384x256xf32, #tpu.memory_space<hbm>> -> memref<128x256xf32, #tpu.memory_space<hbm>>
    %dma_wait3A_43 = arith.constant 0 : i32
    %dma_wait3A_44 = tpu.memref_slice %arg4[%add3A_16, %dma_wait3A_43] : memref<16384x256xf32, #tpu.memory_space<hbm>> -> memref<128x256xf32, #tpu.memory_space<hbm>>
    tpu.wait_dma2 semaphore(%arg10 : memref<!tpu.dma_semaphore, #tpu.memory_space<semaphore_mem>>) src(%arg6 : memref<128x256xf32, #tpu.memory_space<vmem>>) dst(%dma_wait3A_44 : memref<128x256xf32, #tpu.memory_space<hbm>>)
    %dma_start3A_45 = arith.constant 2 : i32
    %dma_start3A_46 = arith.constant 0 : i32
    %dma_start3A_47 = tpu.memref_slice %arg5[%dma_start3A_45, %dma_start3A_46] : memref<4x128xi32, #tpu.memory_space<vmem>> -> memref<1x128xi32, #tpu.memory_space<vmem>>
    %dma_start3A_48 = tpu.memref_squeeze %dma_start3A_47 : memref<1x128xi32, #tpu.memory_space<vmem>> -> memref<128xi32, #tpu.memory_space<vmem>>
    %dma_start3A_49 = arith.constant 0 : i32
    %dma_start3A_50 = arith.constant 0 : i32
    %dma_start3A_51 = tpu.memref_slice %arg2[%dma_start3A_49, %dma_start3A_50] : memref<8192x256xf32, #tpu.memory_space<hbm>> -> memref<8192x256xf32, #tpu.memory_space<hbm>>
    tpu.enqueue_indirect_dma source(%dma_start3A_51 : memref<8192x256xf32, #tpu.memory_space<hbm>>) target(%arg6 : memref<128x256xf32, #tpu.memory_space<vmem>>) offsets(%dma_start3A_48 : memref<128xi32, #tpu.memory_space<vmem>>) semaphore(%arg8 : memref<!tpu.dma_semaphore, #tpu.memory_space<semaphore_mem>>)
    %dma_wait3A_52 = arith.constant 2 : i32
    %dma_wait3A_53 = arith.constant 0 : i32
    %dma_wait3A_54 = tpu.memref_slice %arg5[%dma_wait3A_52, %dma_wait3A_53] : memref<4x128xi32, #tpu.memory_space<vmem>> -> memref<1x128xi32, #tpu.memory_space<vmem>>
    %dma_wait3A_55 = tpu.memref_squeeze %dma_wait3A_54 : memref<1x128xi32, #tpu.memory_space<vmem>> -> memref<128xi32, #tpu.memory_space<vmem>>
    %dma_wait3A_56 = arith.constant 0 : i32
    %dma_wait3A_57 = arith.constant 0 : i32
    %dma_wait3A_58 = tpu.memref_slice %arg2[%dma_wait3A_56, %dma_wait3A_57] : memref<8192x256xf32, #tpu.memory_space<hbm>> -> memref<8192x256xf32, #tpu.memory_space<hbm>>
    tpu.wait_indirect_dma semaphore(%arg8 : memref<!tpu.dma_semaphore, #tpu.memory_space<semaphore_mem>>) src(%dma_wait3A_58 : memref<8192x256xf32, #tpu.memory_space<hbm>>) dst(%arg6 : memref<128x256xf32, #tpu.memory_space<vmem>>)
    %add3A_59 = arith.constant 256 : i32
    %add3A_60 = arith.addi %mul3A_2, %add3A_59 : i32
    %dma_start3A_61 = arith.constant 0 : i32
    %dma_start3A_62 = tpu.memref_slice %arg4[%add3A_60, %dma_start3A_61] : memref<16384x256xf32, #tpu.memory_space<hbm>> -> memref<128x256xf32, #tpu.memory_space<hbm>>
    %dma_start3A_63 = arith.constant 0 : i32
    %dma_start3A_64 = tpu.memref_slice %arg4[%add3A_60, %dma_start3A_63] : memref<16384x256xf32, #tpu.memory_space<hbm>> -> memref<128x256xf32, #tpu.memory_space<hbm>>
    tpu.enqueue_dma source(%arg6 : memref<128x256xf32, #tpu.memory_space<vmem>>) target(%dma_start3A_64 : memref<128x256xf32, #tpu.memory_space<hbm>>) target_semaphore(%arg10 : memref<!tpu.dma_semaphore, #tpu.memory_space<semaphore_mem>>)
    %dma_wait3A_65 = arith.constant 0 : i32
    %dma_wait3A_66 = tpu.memref_slice %arg4[%add3A_36, %dma_wait3A_65] : memref<16384x256xf32, #tpu.memory_space<hbm>> -> memref<128x256xf32, #tpu.memory_space<hbm>>
    %dma_wait3A_67 = arith.constant 0 : i32
    %dma_wait3A_68 = tpu.memref_slice %arg4[%add3A_36, %dma_wait3A_67] : memref<16384x256xf32, #tpu.memory_space<hbm>> -> memref<128x256xf32, #tpu.memory_space<hbm>>
    tpu.wait_dma2 semaphore(%arg11 : memref<!tpu.dma_semaphore, #tpu.memory_space<semaphore_mem>>) src(%arg7 : memref<128x256xf32, #tpu.memory_space<vmem>>) dst(%dma_wait3A_68 : memref<128x256xf32, #tpu.memory_space<hbm>>)
    %dma_start3A_69 = arith.constant 3 : i32
    %dma_start3A_70 = arith.constant 0 : i32
    %dma_start3A_71 = tpu.memref_slice %arg5[%dma_start3A_69, %dma_start3A_70] : memref<4x128xi32, #tpu.memory_space<vmem>> -> memref<1x128xi32, #tpu.memory_space<vmem>>
    %dma_start3A_72 = tpu.memref_squeeze %dma_start3A_71 : memref<1x128xi32, #tpu.memory_space<vmem>> -> memref<128xi32, #tpu.memory_space<vmem>>
    %dma_start3A_73 = arith.constant 0 : i32
    %dma_start3A_74 = arith.constant 0 : i32
    %dma_start3A_75 = tpu.memref_slice %arg2[%dma_start3A_73, %dma_start3A_74] : memref<8192x256xf32, #tpu.memory_space<hbm>> -> memref<8192x256xf32, #tpu.memory_space<hbm>>
    tpu.enqueue_indirect_dma source(%dma_start3A_75 : memref<8192x256xf32, #tpu.memory_space<hbm>>) target(%arg7 : memref<128x256xf32, #tpu.memory_space<vmem>>) offsets(%dma_start3A_72 : memref<128xi32, #tpu.memory_space<vmem>>) semaphore(%arg9 : memref<!tpu.dma_semaphore, #tpu.memory_space<semaphore_mem>>)
    %dma_wait3A_76 = arith.constant 3 : i32
    %dma_wait3A_77 = arith.constant 0 : i32
    %dma_wait3A_78 = tpu.memref_slice %arg5[%dma_wait3A_76, %dma_wait3A_77] : memref<4x128xi32, #tpu.memory_space<vmem>> -> memref<1x128xi32, #tpu.memory_space<vmem>>
    %dma_wait3A_79 = tpu.memref_squeeze %dma_wait3A_78 : memref<1x128xi32, #tpu.memory_space<vmem>> -> memref<128xi32, #tpu.memory_space<vmem>>
    %dma_wait3A_80 = arith.constant 0 : i32
    %dma_wait3A_81 = arith.constant 0 : i32
    %dma_wait3A_82 = tpu.memref_slice %arg2[%dma_wait3A_80, %dma_wait3A_81] : memref<8192x256xf32, #tpu.memory_space<hbm>> -> memref<8192x256xf32, #tpu.memory_space<hbm>>
    tpu.wait_indirect_dma semaphore(%arg9 : memref<!tpu.dma_semaphore, #tpu.memory_space<semaphore_mem>>) src(%dma_wait3A_82 : memref<8192x256xf32, #tpu.memory_space<hbm>>) dst(%arg7 : memref<128x256xf32, #tpu.memory_space<vmem>>)
    %add3A_83 = arith.constant 384 : i32
    %add3A_84 = arith.addi %mul3A_2, %add3A_83 : i32
    %dma_start3A_85 = arith.constant 0 : i32
    %dma_start3A_86 = tpu.memref_slice %arg4[%add3A_84, %dma_start3A_85] : memref<16384x256xf32, #tpu.memory_space<hbm>> -> memref<128x256xf32, #tpu.memory_space<hbm>>
    %dma_start3A_87 = arith.constant 0 : i32
    %dma_start3A_88 = tpu.memref_slice %arg4[%add3A_84, %dma_start3A_87] : memref<16384x256xf32, #tpu.memory_space<hbm>> -> memref<128x256xf32, #tpu.memory_space<hbm>>
    tpu.enqueue_dma source(%arg7 : memref<128x256xf32, #tpu.memory_space<vmem>>) target(%dma_start3A_88 : memref<128x256xf32, #tpu.memory_space<hbm>>) target_semaphore(%arg11 : memref<!tpu.dma_semaphore, #tpu.memory_space<semaphore_mem>>)
    %dma_wait3A_89 = arith.constant 0 : i32
    %dma_wait3A_90 = tpu.memref_slice %arg4[%add3A_60, %dma_wait3A_89] : memref<16384x256xf32, #tpu.memory_space<hbm>> -> memref<128x256xf32, #tpu.memory_space<hbm>>
    %dma_wait3A_91 = arith.constant 0 : i32
    %dma_wait3A_92 = tpu.memref_slice %arg4[%add3A_60, %dma_wait3A_91] : memref<16384x256xf32, #tpu.memory_space<hbm>> -> memref<128x256xf32, #tpu.memory_space<hbm>>
    tpu.wait_dma2 semaphore(%arg10 : memref<!tpu.dma_semaphore, #tpu.memory_space<semaphore_mem>>) src(%arg6 : memref<128x256xf32, #tpu.memory_space<vmem>>) dst(%dma_wait3A_92 : memref<128x256xf32, #tpu.memory_space<hbm>>)
    %dma_wait3A_93 = arith.constant 0 : i32
    %dma_wait3A_94 = tpu.memref_slice %arg4[%add3A_84, %dma_wait3A_93] : memref<16384x256xf32, #tpu.memory_space<hbm>> -> memref<128x256xf32, #tpu.memory_space<hbm>>
    %dma_wait3A_95 = arith.constant 0 : i32
    %dma_wait3A_96 = tpu.memref_slice %arg4[%add3A_84, %dma_wait3A_95] : memref<16384x256xf32, #tpu.memory_space<hbm>> -> memref<128x256xf32, #tpu.memory_space<hbm>>
    tpu.wait_dma2 semaphore(%arg11 : memref<!tpu.dma_semaphore, #tpu.memory_space<semaphore_mem>>) src(%arg7 : memref<128x256xf32, #tpu.memory_space<vmem>>) dst(%dma_wait3A_96 : memref<128x256xf32, #tpu.memory_space<hbm>>)
    return
  }
}

module attributes {stable_mosaic.version = 14 : i64} {
  func.func @_dist_argmin_kernel(%arg0: i32, %arg1: i32, %arg2: memref<1x256x1024xbf16, #tpu.memory_space<vmem>>, %arg3: memref<2736x256xbf16, #tpu.memory_space<vmem>>, %arg4: memref<1x1x1024xf32, #tpu.memory_space<vmem>>, %arg5: memref<2736x1xf32, #tpu.memory_space<vmem>>, %arg6: memref<2736x1xf32, #tpu.memory_space<vmem>>, %arg7: memref<16x1x1024xi32, #tpu.memory_space<vmem>>, %arg8: memref<1x1024xf32, #tpu.memory_space<vmem>>, %arg9: memref<16x1024xf32, #tpu.memory_space<vmem>>, %arg10: memref<16x1024xi32, #tpu.memory_space<vmem>>, %arg11: memref<1x1024xf32, #tpu.memory_space<vmem>>) attributes {dimension_semantics = [#tpu.dimension_semantics<arbitrary>, #tpu.dimension_semantics<arbitrary>], iteration_bounds = array<i64: 3, 16>, scalar_prefetch = 0 : i64, scratch_operands = 3 : i64, tpu.core_type = #tpu.core_type<tc>, window_params = [{transform_indices = @transform_0, window_bounds = array<i64: 1, 256, 1024>}, {transform_indices = @transform_1, window_bounds = array<i64: 2736, 256>}, {transform_indices = @transform_2, window_bounds = array<i64: 1, 1, 1024>}, {transform_indices = @transform_3, window_bounds = array<i64: 2736, 1>}, {transform_indices = @transform_4, window_bounds = array<i64: 2736, 1>}, {pipeline_mode = #tpu.pipeline_mode<synchronous>, transform_indices = @transform_5, window_bounds = array<i64: 16, 1, 1024>}, {pipeline_mode = #tpu.pipeline_mode<synchronous>, transform_indices = @transform_6, window_bounds = array<i64: 1, 1024>}]} {
    %get3A = arith.constant 0 : index
    %get3A_0 = arith.constant 0 : index
    %get3A_1 = vector.load %arg3[%get3A, %get3A_0] : memref<2736x256xbf16, #tpu.memory_space<vmem>>, vector<2736x256xbf16>
    %get3A_2 = arith.constant 0 : index
    %get3A_3 = arith.constant 0 : index
    %get3A_4 = arith.constant 0 : index
    %get3A_5 = vector.load %arg2[%get3A_2, %get3A_3, %get3A_4] : memref<1x256x1024xbf16, #tpu.memory_space<vmem>>, vector<1x256x1024xbf16>
    %get3A_6 = vector.shape_cast %get3A_5 : vector<1x256x1024xbf16> to vector<256x1024xbf16>
    %dot_general3A = arith.constant dense<0.000000e+00> : vector<2736x1024xf32>
    %dot_general3A_7 = tpu.matmul %get3A_1, %get3A_6, %dot_general3A {dimension_numbers = #tpu.dot_dimension_numbers<[1], [0], [0], [1], [0, 0, 1, 1], [], []>, transpose_lhs_hint = false} : vector<2736x256xbf16>, vector<256x1024xbf16>, vector<2736x1024xf32> -> vector<2736x1024xf32>
    %get3A_8 = arith.constant 0 : index
    %get3A_9 = arith.constant 0 : index
    %get3A_10 = arith.constant 0 : index
    %get3A_11 = vector.load %arg4[%get3A_8, %get3A_9, %get3A_10] : memref<1x1x1024xf32, #tpu.memory_space<vmem>>, vector<1x1x1024xf32>
    %get3A_12 = vector.shape_cast %get3A_11 : vector<1x1x1024xf32> to vector<1x1024xf32>
    %add3A = vector.broadcast %get3A_12 : vector<1x1024xf32> to vector<2736x1024xf32>
    %add3A_13 = arith.addf %dot_general3A_7, %add3A : vector<2736x1024xf32>
    %get3A_14 = arith.constant 0 : index
    %get3A_15 = arith.constant 0 : index
    %get3A_16 = vector.load %arg5[%get3A_14, %get3A_15] : memref<2736x1xf32, #tpu.memory_space<vmem>>, vector<2736x1xf32>
    %add3A_17 = vector.broadcast %get3A_16 : vector<2736x1xf32> to vector<2736x1024xf32>
    %add3A_18 = arith.addf %add3A_13, %add3A_17 : vector<2736x1024xf32>
    %reduce_min3A = arith.constant dense<0x7F800000> : vector<1024xf32>
    %reduce_min3A_19 = vector.multi_reduction <minimumf>, %add3A_18, %reduce_min3A [0] : vector<2736x1024xf32> to vector<1024xf32>
    %broadcast_in_dim3A = vector.shape_cast %reduce_min3A_19 : vector<1024xf32> to vector<1x1024xf32>
    %eq3A = vector.broadcast %broadcast_in_dim3A : vector<1x1024xf32> to vector<2736x1024xf32>
    %eq3A_20 = arith.cmpf oeq, %add3A_18, %eq3A : vector<2736x1024xf32>
    %get3A_21 = arith.constant 0 : index
    %get3A_22 = arith.constant 0 : index
    %get3A_23 = vector.load %arg6[%get3A_21, %get3A_22] : memref<2736x1xf32, #tpu.memory_space<vmem>>, vector<2736x1xf32>
    %jit3A = arith.constant 1.07374182E+9 : f32
    %broadcast_in_dim3A_24 = vector.shape_cast %get3A_23 : vector<2736x1xf32> to vector<2736x1xf32>
    %broadcast_in_dim3A_25 = vector.broadcast %broadcast_in_dim3A_24 : vector<2736x1xf32> to vector<2736x1024xf32>
    %broadcast_in_dim3A_26 = vector.broadcast %jit3A : f32 to vector<2736x1024xf32>
    %select_n3A = arith.select %eq3A_20, %broadcast_in_dim3A_25, %broadcast_in_dim3A_26 : vector<2736x1024xi1>, vector<2736x1024xf32>
    %reduce_min3A_27 = arith.constant dense<0x7F800000> : vector<1024xf32>
    %reduce_min3A_28 = vector.multi_reduction <minimumf>, %select_n3A, %reduce_min3A_27 [0] : vector<2736x1024xf32> to vector<1024xf32>
    %broadcast_in_dim3A_29 = vector.shape_cast %reduce_min3A_28 : vector<1024xf32> to vector<1x1024xf32>
    %convert_element_type3A = arith.fptosi %broadcast_in_dim3A_29 : vector<1x1024xf32> to vector<1x1024xi32>
    %eq3A_30 = arith.constant 0 : i32
    %eq3A_31 = arith.cmpi eq, %arg1, %eq3A_30 : i32
    %eq3A_32 = arith.constant 0 : i32
    %eq3A_33 = arith.cmpi eq, %arg0, %eq3A_32 : i32
    %and3A = arith.andi %eq3A_31, %eq3A_33 : i1
    %convert_element_type3A_34 = arith.extui %and3A : i1 to i32
    %cond3A = arith.constant 0 : i32
    %cond3A_35 = arith.cmpi ne, %convert_element_type3A_34, %cond3A : i32
    scf.if %cond3A_35 {
      %broadcast_in_dim3A_53 = arith.constant 0.000000e+00 : f32
      %broadcast_in_dim3A_54 = vector.broadcast %broadcast_in_dim3A_53 : f32 to vector<1x1024xf32>
      %swap3A = arith.constant 0 : index
      %swap3A_55 = arith.constant 0 : index
      %swap3A_56 = vector.load %arg11[%swap3A, %swap3A_55] : memref<1x1024xf32, #tpu.memory_space<vmem>>, vector<1x1024xf32>
      tpu.vector_store %arg11[%swap3A, %swap3A_55], %broadcast_in_dim3A_54 {strides = array<i32>} : memref<1x1024xf32, #tpu.memory_space<vmem>>, vector<1x1024xf32>,
    } else {
    }
    %eq3A_36 = arith.constant 0 : i32
    %eq3A_37 = arith.cmpi eq, %arg0, %eq3A_36 : i32
    %convert_element_type3A_38 = arith.extui %eq3A_37 : i1 to i32
    %cond3A_39 = arith.constant 0 : i32
    %cond3A_40 = arith.cmpi ne, %convert_element_type3A_38, %cond3A_39 : i32
    scf.if %cond3A_40 {
      %bitcast_convert_type3A = tpu.bitcast %broadcast_in_dim3A : vector<1x1024xf32> -> vector<1x1024xi32>
      %add3A_53 = arith.constant 32767 : i32
      %add3A_54 = vector.broadcast %add3A_53 : i32 to vector<1x1024xi32>
      %add3A_55 = arith.addi %bitcast_convert_type3A, %add3A_54 : vector<1x1024xi32>
      %shift_right_arithmetic3A = arith.constant 16 : i32
      %shift_right_arithmetic3A_56 = vector.broadcast %shift_right_arithmetic3A : i32 to vector<1x1024xi32>
      %shift_right_arithmetic3A_57 = arith.shrsi %bitcast_convert_type3A, %shift_right_arithmetic3A_56 : vector<1x1024xi32>
      %and3A_58 = arith.constant 1 : i32
      %and3A_59 = vector.broadcast %and3A_58 : i32 to vector<1x1024xi32>
      %and3A_60 = arith.andi %shift_right_arithmetic3A_57, %and3A_59 : vector<1x1024xi32>
      %add3A_61 = arith.addi %add3A_55, %and3A_60 : vector<1x1024xi32>
      %and3A_62 = arith.constant -65536 : i32
      %and3A_63 = vector.broadcast %and3A_62 : i32 to vector<1x1024xi32>
      %and3A_64 = arith.andi %add3A_61, %and3A_63 : vector<1x1024xi32>
      %bitcast_convert_type3A_65 = tpu.bitcast %and3A_64 : vector<1x1024xi32> -> vector<1x1024xf32>
      %swap3A = arith.index_cast %arg1 : i32 to index
      %swap3A_66 = arith.constant 0 : index
      %swap3A_67 = vector.load %arg9[%swap3A, %swap3A_66] : memref<16x1024xf32, #tpu.memory_space<vmem>>, vector<1x1024xf32>
      tpu.vector_store %arg9[%swap3A, %swap3A_66], %bitcast_convert_type3A_65 {strides = array<i32>} : memref<16x1024xf32, #tpu.memory_space<vmem>>, vector<1x1024xf32>,
      %swap3A_68 = arith.index_cast %arg1 : i32 to index
      %swap3A_69 = arith.constant 0 : index
      %swap3A_70 = vector.load %arg10[%swap3A_68, %swap3A_69] : memref<16x1024xi32, #tpu.memory_space<vmem>>, vector<1x1024xi32>
      tpu.vector_store %arg10[%swap3A_68, %swap3A_69], %convert_element_type3A {strides = array<i32>} : memref<16x1024xi32, #tpu.memory_space<vmem>>, vector<1x1024xi32>,
    } else {
    }
    %ne3A = arith.constant 0 : i32
    %ne3A_41 = arith.cmpi ne, %arg0, %ne3A : i32
    %convert_element_type3A_42 = arith.extui %ne3A_41 : i1 to i32
    %cond3A_43 = arith.constant 0 : i32
    %cond3A_44 = arith.cmpi ne, %convert_element_type3A_42, %cond3A_43 : i32
    scf.if %cond3A_44 {
      %get3A_53 = arith.index_cast %arg1 : i32 to index
      %get3A_54 = arith.constant 0 : index
      %get3A_55 = vector.load %arg9[%get3A_53, %get3A_54] : memref<16x1024xf32, #tpu.memory_space<vmem>>, vector<1x1024xf32>
      %lt3A = arith.cmpf olt, %broadcast_in_dim3A, %get3A_55 : vector<1x1024xf32>
      %get3A_56 = arith.index_cast %arg1 : i32 to index
      %get3A_57 = arith.constant 0 : index
      %get3A_58 = vector.load %arg9[%get3A_56, %get3A_57] : memref<16x1024xf32, #tpu.memory_space<vmem>>, vector<1x1024xf32>
      %select_n3A_59 = arith.select %lt3A, %broadcast_in_dim3A, %get3A_58 : vector<1x1024xi1>, vector<1x1024xf32>
      %get3A_60 = arith.index_cast %arg1 : i32 to index
      %get3A_61 = arith.constant 0 : index
      %get3A_62 = vector.load %arg10[%get3A_60, %get3A_61] : memref<16x1024xi32, #tpu.memory_space<vmem>>, vector<1x1024xi32>
      %select_n3A_63 = arith.select %lt3A, %convert_element_type3A, %get3A_62 : vector<1x1024xi1>, vector<1x1024xi32>
      %swap3A = arith.index_cast %arg1 : i32 to index
      %swap3A_64 = arith.constant 0 : index
      %swap3A_65 = vector.load %arg10[%swap3A, %swap3A_64] : memref<16x1024xi32, #tpu.memory_space<vmem>>, vector<1x1024xi32>
      tpu.vector_store %arg10[%swap3A, %swap3A_64], %select_n3A_63 {strides = array<i32>} : memref<16x1024xi32, #tpu.memory_space<vmem>>, vector<1x1024xi32>,
      %bitcast_convert_type3A = tpu.bitcast %select_n3A_59 : vector<1x1024xf32> -> vector<1x1024xi32>
      %add3A_66 = arith.constant 32767 : i32
      %add3A_67 = vector.broadcast %add3A_66 : i32 to vector<1x1024xi32>
      %add3A_68 = arith.addi %bitcast_convert_type3A, %add3A_67 : vector<1x1024xi32>
      %shift_right_arithmetic3A = arith.constant 16 : i32
      %shift_right_arithmetic3A_69 = vector.broadcast %shift_right_arithmetic3A : i32 to vector<1x1024xi32>
      %shift_right_arithmetic3A_70 = arith.shrsi %bitcast_convert_type3A, %shift_right_arithmetic3A_69 : vector<1x1024xi32>
      %and3A_71 = arith.constant 1 : i32
      %and3A_72 = vector.broadcast %and3A_71 : i32 to vector<1x1024xi32>
      %and3A_73 = arith.andi %shift_right_arithmetic3A_70, %and3A_72 : vector<1x1024xi32>
      %add3A_74 = arith.addi %add3A_68, %and3A_73 : vector<1x1024xi32>
      %and3A_75 = arith.constant -65536 : i32
      %and3A_76 = vector.broadcast %and3A_75 : i32 to vector<1x1024xi32>
      %and3A_77 = arith.andi %add3A_74, %and3A_76 : vector<1x1024xi32>
      %bitcast_convert_type3A_78 = tpu.bitcast %and3A_77 : vector<1x1024xi32> -> vector<1x1024xf32>
      %swap3A_79 = arith.index_cast %arg1 : i32 to index
      %swap3A_80 = arith.constant 0 : index
      %swap3A_81 = vector.load %arg9[%swap3A_79, %swap3A_80] : memref<16x1024xf32, #tpu.memory_space<vmem>>, vector<1x1024xf32>
      tpu.vector_store %arg9[%swap3A_79, %swap3A_80], %bitcast_convert_type3A_78 {strides = array<i32>} : memref<16x1024xf32, #tpu.memory_space<vmem>>, vector<1x1024xf32>,
      %eq3A_82 = arith.constant 2 : i32
      %eq3A_83 = arith.cmpi eq, %arg0, %eq3A_82 : i32
      %convert_element_type3A_84 = arith.extui %eq3A_83 : i1 to i32
      %cond3A_85 = arith.constant 0 : i32
      %cond3A_86 = arith.cmpi ne, %convert_element_type3A_84, %cond3A_85 : i32
      scf.if %cond3A_86 {
        %get3A_87 = arith.index_cast %arg1 : i32 to index
        %get3A_88 = arith.constant 0 : index
        %get3A_89 = vector.load %arg10[%get3A_87, %get3A_88] : memref<16x1024xi32, #tpu.memory_space<vmem>>, vector<1x1024xi32>
        %swap3A_90 = arith.index_cast %arg1 : i32 to index
        %swap3A_91 = arith.constant 0 : index
        %swap3A_92 = arith.constant 0 : index
        %swap3A_93 = vector.load %arg7[%swap3A_90, %swap3A_91, %swap3A_92] : memref<16x1x1024xi32, #tpu.memory_space<vmem>>, vector<1x1x1024xi32>
        %swap3A_94 = vector.shape_cast %swap3A_93 : vector<1x1x1024xi32> to vector<1x1024xi32>
        %swap3A_95 = vector.shape_cast %get3A_89 : vector<1x1024xi32> to vector<1x1x1024xi32>
        tpu.vector_store %arg7[%swap3A_90, %swap3A_91, %swap3A_92], %swap3A_95 {strides = array<i32>} : memref<16x1x1024xi32, #tpu.memory_space<vmem>>, vector<1x1x1024xi32>,
        %get3A_96 = arith.constant 0 : index
        %get3A_97 = arith.constant 0 : index
        %get3A_98 = vector.load %arg11[%get3A_96, %get3A_97] : memref<1x1024xf32, #tpu.memory_space<vmem>>, vector<1x1024xf32>
        %add3A_99 = arith.addf %get3A_98, %select_n3A_59 : vector<1x1024xf32>
        %swap3A_100 = arith.constant 0 : index
        %swap3A_101 = arith.constant 0 : index
        %swap3A_102 = vector.load %arg11[%swap3A_100, %swap3A_101] : memref<1x1024xf32, #tpu.memory_space<vmem>>, vector<1x1024xf32>
        tpu.vector_store %arg11[%swap3A_100, %swap3A_101], %add3A_99 {strides = array<i32>} : memref<1x1024xf32, #tpu.memory_space<vmem>>, vector<1x1024xf32>,
      } else {
      }
    } else {
    }
    %eq3A_45 = arith.constant 15 : i32
    %eq3A_46 = arith.cmpi eq, %arg1, %eq3A_45 : i32
    %eq3A_47 = arith.constant 2 : i32
    %eq3A_48 = arith.cmpi eq, %arg0, %eq3A_47 : i32
    %and3A_49 = arith.andi %eq3A_46, %eq3A_48 : i1
    %convert_element_type3A_50 = arith.extui %and3A_49 : i1 to i32
    %cond3A_51 = arith.constant 0 : i32
    %cond3A_52 = arith.cmpi ne, %convert_element_type3A_50, %cond3A_51 : i32
    scf.if %cond3A_52 {
      %get3A_53 = arith.constant 0 : index
      %get3A_54 = arith.constant 0 : index
      %get3A_55 = vector.load %arg11[%get3A_53, %get3A_54] : memref<1x1024xf32, #tpu.memory_space<vmem>>, vector<1x1024xf32>
      %swap3A = arith.constant 0 : index
      %swap3A_56 = arith.constant 0 : index
      %swap3A_57 = vector.load %arg8[%swap3A, %swap3A_56] : memref<1x1024xf32, #tpu.memory_space<vmem>>, vector<1x1024xf32>
      tpu.vector_store %arg8[%swap3A, %swap3A_56], %get3A_55 {strides = array<i32>} : memref<1x1024xf32, #tpu.memory_space<vmem>>, vector<1x1024xf32>,
    } else {
    }
    return
  }
  func.func @transform_0(%arg0: i32, %arg1: i32) -> (i32, i32, i32) {
    %c0_i32 = arith.constant 0 : i32
    %c0_i32_0 = arith.constant 0 : i32
    %c0_i32_1 = arith.constant 0 : i32
    return %arg1, %c0_i32, %c0_i32_0 : i32, i32, i32
  }
  func.func @transform_1(%arg0: i32, %arg1: i32) -> (i32, i32) {
    %c0_i32 = arith.constant 0 : i32
    %c0_i32_0 = arith.constant 0 : i32
    return %arg0, %c0_i32 : i32, i32
  }
  func.func @transform_2(%arg0: i32, %arg1: i32) -> (i32, i32, i32) {
    %c0_i32 = arith.constant 0 : i32
    %c0_i32_0 = arith.constant 0 : i32
    %c0_i32_1 = arith.constant 0 : i32
    return %arg1, %c0_i32, %c0_i32_0 : i32, i32, i32
  }
  func.func @transform_3(%arg0: i32, %arg1: i32) -> (i32, i32) {
    %c0_i32 = arith.constant 0 : i32
    %c0_i32_0 = arith.constant 0 : i32
    return %arg0, %c0_i32 : i32, i32
  }
  func.func @transform_4(%arg0: i32, %arg1: i32) -> (i32, i32) {
    %c0_i32 = arith.constant 0 : i32
    %c0_i32_0 = arith.constant 0 : i32
    return %arg0, %c0_i32 : i32, i32
  }
  func.func @transform_5(%arg0: i32, %arg1: i32) -> (i32, i32, i32) {
    %c0_i32 = arith.constant 0 : i32
    %c0_i32_0 = arith.constant 0 : i32
    %c0_i32_1 = arith.constant 0 : i32
    %c0_i32_2 = arith.constant 0 : i32
    return %c0_i32, %c0_i32_0, %c0_i32_1 : i32, i32, i32
  }
  func.func @transform_6(%arg0: i32, %arg1: i32) -> (i32, i32) {
    %c0_i32 = arith.constant 0 : i32
    %c0_i32_0 = arith.constant 0 : i32
    %c0_i32_1 = arith.constant 0 : i32
    return %c0_i32, %c0_i32_0 : i32, i32
  }
}

</mosaic_0001>

<sc_bundles>
// kernel: kernel.4.cloned.1.call-start
scs
__scs_entry_jumppad:
0x0: {  	(pc) =	sbr.rel $0x88, $3  }
0x1: {  	(tag) =	ssettag $0x0;
	lr =	simm.s32 $0x1  }
0x2: {  	[smem:$0x3F9F] =	sst lr;
	_ =	strace $0xD0000000  }
0x3: {  	_ = 	snop  }
0x4: {  	_ = 	snop  }
0x5: {  	_ = 	snop  }
0x6: {  	_ = 	snop  }
0x7: {  	_ = 	snop  }
__scs_overlays_trampoline_lowered:
0x8: {  	[smem:$0x3FAE] =	sst s0  }
0x9: {  	[smem:$0x3FAF] =	sst s1  }
0xa: {  	[smem:$0x3FB0] =	sst s2  }
0xb: {  	[smem:$0x3FB1] =	sst s3  }
0xc: {  	[smem:$0x3FB2] =	sst s4  }
0xd: {  	[smem:$0x3FB3] =	sst s5  }
0xe: {  	[smem:$0x3FB4] =	sst s6  }
0xf: {  	[smem:$0x3FB5] =	sst s7  }
0x10: {  	[smem:$0x3FB6] =	sst s8  }
0x11: {  	[smem:$0x3FB7] =	sst s9;
	s0 =	simm.s32 @!p0 $0x0  }
0x12: {  	s1 =	sld [smem:$0x3F9D];
	s0 =	simm.s32 @p0 $0x1  }
0x13: {  	[smem:$0x3FB8] =	sst s0;
	s0 =	simm.s32 @!p1 $0x0  }
0x14: {  	s2 =	sld [smem:$0x3F9C];
	s0 =	simm.s32 @p1 $0x1  }
0x15: {  	[smem:$0x3FB9] =	sst s0;
	s0 =	simm.s32 @!p2 $0x0  }
0x16: {  	s3 =	sld [smem:$0x3FDB];
	s0 =	simm.s32 @p2 $0x1  }
0x17: {  	s4 =	simm.s32 $0x1BF5;
	[smem:$0x3FBB] =	sst s0  }
0x18: {  	s0 =	sld [smem:$0x3F9E];
	_ =	swait.ge [sflag:s4], $0x0  }
0x19: {  	s7 =	sld [smem:$0x3F9F]  }
0x1a: {  	s8 =	sadd.s32 $0xFFFFE003, lr  }
0x1b: {  	s9 =	sadd.s32 $0xFFFFFEF7, lr;
	s5 =	simm.s32 $0xFFFFFFFF;
	p2 =	slt.u32 s8, $0xFFFFF086  }
0x1c: {  	p1 =	slt.u32 s9, $0xF7A;
	s5 =	simm.s32 @!p2 $0x0  }
0x1d: {  	s5 =	simm.s32 @p1 $0x1;
	p0 =	seq.s32 s7, s2  }
0x1e: {  	s7 =	smul.u32 @!p0 $0xF7A, s2;
	p2 =	seq.s32 @!p0 s5, $0x0  }
0x1f: {  	s9 =	smul.u32 $0xF7A, s1;
	s8 =	simm.s32 @!p0 $0x1BF5;
	p2 =	por !p2, p0  }
0x20: {  	[sflag:s8] =	ssyncset.s32 @!p0 $0xFFFFF086;
	s6 =	sadd.s32 @!p0 s3, s7;
	s7 =	simm.s32 @!p0 $0x108  }
0x21: {  	s3 =	sadd.s32 s3, s9;
	s6 =	sadd.s32 @!p0 $0x88, s6;
	s7 =	simm.s32 @p2 $0x1082  }
0x22: {  	[simem:s7], [sflag:s8] =	dma.local @!p0 [hbm:s6], $0xF7A  }
0x23: {  	s9 =	sor.u32 $0xD0000000, s2;
	s6 =	simm.s32 $0x108;
	_ =	swait.ge @!p0 [sflag:s8], $0x0  }
0x24: {  	s3 =	sadd.s32 $0x88, s3;
	s6 =	simm.s32 @!p1 $0x1082;
	[sflag:s4] =	ssyncset.s32 $0xFFFFF086  }
0x25: {  	[simem:s6], [sflag:s4] =	dma.local [hbm:s3], $0xF7A  }
0x26: {  	[smem:$0x3F9F] =	sst s1;
	(tag) =	ssettag s2;
	_ =	strace s9  }
0x27: {  	s1 =	sld [smem:$0x3FAF]  }
0x28: {  	s2 =	sld [smem:$0x3FB0]  }
0x29: {  	s4 =	sld [smem:$0x3FB2]  }
0x2a: {  	p0 =	seq.s32 s5, $0x0;
	s5 =	sld [smem:$0x3FB3]  }
0x2b: {  	s6 =	sld [smem:$0x3FB4]  }
0x2c: {  	s7 =	sld [smem:$0x3FB5]  }
0x2d: {  	s3 =	simm.s32 $0x108;
	s8 =	sld [smem:$0x3FB6]  }
0x2e: {  	s3 =	simm.s32 @!p0 $0x1082;
	s9 =	sld [smem:$0x3FB7]  }
0x2f: {  	lr =	sadd.s32 s0, s3;
	s0 =	sld [smem:$0x3FAE]  }
0x30: {  	s3 =	sld [smem:$0x3FB1]  }
0x31: {  	[smem:$0x3FBA] =	sst s10  }
0x32: {  	s10 =	sld [smem:$0x3FB8];
	_ =	sdelay $0x3  }
0x33: {  	p0 =	seq.s32 s10, $0x1;
	s10 =	sld [smem:$0x3FBA];
	_ =	sdelay $0x3  }
0x34: {  	[smem:$0x3FBA] =	sst s10  }
0x35: {  	s10 =	sld [smem:$0x3FB9];
	_ =	sdelay $0x3  }
0x36: {  	p1 =	seq.s32 s10, $0x1;
	s10 =	sld [smem:$0x3FBA];
	_ =	sdelay $0x3  }
0x37: {  	[smem:$0x3FBA] =	sst s10  }
0x38: {  	s10 =	sld [smem:$0x3FBB]  }
0x39: {  	_ = 	snop;
	(pc) =	sbr.ind lr, $3  }
0x3a: {  	_ = 	snop  }
0x3b: {  	_ = 	snop  }
0x3c: {  	p2 =	seq.s32 s10, $0x1;
	s10 =	sld [smem:$0x3FBA]  }
0x3d: {  	_ =	shalt  }
0x3e: {  	_ =	shalt  }
0x3f: {  	_ =	shalt  }
0x40: {  	_ =	shalt  }
0x41: {  	_ =	shalt  }
0x42: {  	_ =	shalt  }
0x43: {  	_ =	shalt  }
0x44: {  	_ =	shalt  }
0x45: {  	_ =	shalt  }
0x46: {  	_ =	shalt  }
0x47: {  	_ =	shalt  }
0x48: {  	_ =	shalt  }
0x49: {  	_ =	shalt  }
0x4a: {  	_ =	shalt  }
0x4b: {  	_ =	shalt  }
0x4c: {  	_ =	shalt  }
0x4d: {  	_ =	shalt  }
0x4e: {  	_ =	shalt  }
0x4f: {  	_ =	shalt  }
0x50: {  	_ =	shalt  }
0x51: {  	_ =	shalt  }
0x52: {  	_ =	shalt  }
0x53: {  	_ =	shalt  }
0x54: {  	_ =	shalt  }
0x55: {  	_ =	shalt  }
0x56: {  	_ =	shalt  }
0x57: {  	_ =	shalt  }
0x58: {  	_ =	shalt  }
0x59: {  	_ =	shalt  }
0x5a: {  	_ =	shalt  }
0x5b: {  	_ =	shalt  }
0x5c: {  	_ =	shalt  }
0x5d: {  	_ =	shalt  }
0x5e: {  	_ =	shalt  }
0x5f: {  	_ =	shalt  }
0x60: {  	_ =	shalt  }
0x61: {  	_ =	shalt  }
0x62: {  	_ =	shalt  }
0x63: {  	_ =	shalt  }
0x64: {  	_ =	shalt  }
0x65: {  	_ =	shalt  }
0x66: {  	_ =	shalt  }
0x67: {  	_ =	shalt  }
0x68: {  	_ =	shalt  }
0x69: {  	_ =	shalt  }
0x6a: {  	_ =	shalt  }
0x6b: {  	_ =	shalt  }
0x6c: {  	_ =	shalt  }
0x6d: {  	_ =	shalt  }
0x6e: {  	_ =	shalt  }
0x6f: {  	_ =	shalt  }
0x70: {  	_ =	shalt  }
0x71: {  	_ =	shalt  }
0x72: {  	_ =	shalt  }
0x73: {  	_ =	shalt  }
0x74: {  	_ =	shalt  }
0x75: {  	_ =	shalt  }
0x76: {  	_ =	shalt  }
0x77: {  	_ =	shalt  }
0x78: {  	_ =	shalt  }
0x79: {  	_ =	shalt  }
0x7a: {  	_ =	shalt  }
0x7b: {  	_ =	shalt  }
0x7c: {  	_ =	shalt  }
0x7d: {  	_ =	shalt  }
0x7e: {  	_ =	shalt  }
0x7f: {  	_ =	shalt  }
0x80: {  	_ =	shalt  }
0x81: {  	_ =	shalt  }
0x82: {  	_ =	shalt  }
0x83: {  	_ =	shalt  }
0x84: {  	_ =	shalt  }
0x85: {  	_ =	shalt  }
0x86: {  	_ =	shalt  }
0x87: {  	_ =	shalt  }
.Lfunc_end0:
.L_simem_size_0:
called_computation_lowered:
.L_overlay_start_0:
0x88: {  	s2 =	sld [smem:$0x3FD9]  }
0x89: {  	s3 =	sld [smem:$0x3FFE];
	_ =	sdelay $0x1  }
0x8a: {  	s1 =	srdreg.scid  }
0x8b: {  	s0 =	sand.u32 $0x1, s1  }
0x8c: {  	s14 =	sshll.u32 s0, $0xA;
	s2 =	sadd.s32 s3, s2  }
0x8d: {  	s2 =	sadd.s32 s2, s14  }
0x8e: {  	[smem:$0x3FC6] =	sst s2  }
0x8f: {  	_ = 	snop  }
0x90: {  	s2 =	sld [smem:$0x3FD0];
	_ =	sdelay $0x2  }
0x91: {  	s4 =	simm.s32 $0xA;
	s5 =	simm.s32 $0x10;
	s15 =	sld [smem:$0x3FC8]  }
0x92: {  	[smem:s5], [sflag:s4] =	dma.local [hbm:s2], $0x1  }
0x93: {  	_ =	swait.eq [sflag:s4], $0x1  }
0x94: {  	[sflag:s4] =	ssyncset.done $0x0  }
0x95: {  	[sflag:s4] =	ssyncadd.s32 $0xFFFFFFFF  }
0x96: {  	s16 =	sld [smem:$0x10];
	(tm) =	ssettm $0x1  }
0x97: {  	s17 =	sld [smem:$0x3FFB];
	_ =	sdelay $0x3  }
0x98: {  	_ =	strace s17  }
0x99: {  	s4 =	sld [smem:$0x3FFC];
	_ =	sdelay $0x3  }
0x9a: {  	_ =	strace s4  }
0x9b: {  	s4 =	sld [smem:$0x3FFD];
	_ =	sdelay $0x3  }
0x9c: {  	_ =	strace s4  }
0x9d: {  	_ =	strace $0x8FFFFFFF  }
0x9e: {  	s18 =	sld [smem:$0x3FDB];
	_ =	sdelay $0x1  }
0x9f: {  	s19 =	simm.s32 $_scs_section_size  }
0xa0: {  	s6 =	simm.s32 $_size__tile_overlayer_lowered;
	s7 =	simm.s32 $_tile_overlayer_lowered  }
0xa1: {  	s22 =	simm.s32 $0x1BFF;
	s21 =	sshll.u32 s7, $0x1;
	s4 =	sadd.s32 s19, s18  }
0xa2: {  	s8 =	simm.s32 $0x0;
	s20 =	sshll.u32 s6, $0x1;
	s6 =	sadd.s32 s21, s4  }
0xa3: {  	[timem:s8], [sflag:s22] =	dma.local [hbm:s6], s20  }
0xa4: {  	_ =	swait.ge [sflag:s22], s20  }
0xa5: {  	s5 =	ssub.s32 $0x0, s20;
	[sflag:s22] =	ssyncset.done $0x0  }
0xa6: {  	[sflag:s22] =	ssyncadd.s32 s5;
	_ =	sdelay $0x1  }
0xa7: {  	s23 =	simm.s32 $0x1B8B  }
0xa8: {  	_ =	swait.ge [sflag:s23], $0x1  }
0xa9: {  	[sflag:s23] =	ssyncset.done $0x0  }
0xaa: {  	s25 =	simm.s32 $0x1B8E;
	s24 =	sld [smem:$0x3FFE];
	[sflag:s23] =	ssyncadd.s32 $0xFFFFFFFF  }
0xab: {  	s26 =	simm.s32 $execute0_lowered;
	[smem:$0x3FD2] =	sst s25  }
0xac: {  	s6 =	sshll.u32 s26, $0x1;
	_ =	strace $0x80000046;
	[dreg:$0x1] =	wrdreg $0xFFFFFFFF  }
0xad: {  	s28 =	simm.s32 $_size_execute0_lowered;
	s4 =	sadd.s32 s4, s6;
	[dreg:$0x0] =	wrdreg $0x0  }
0xae: {  	s6 =	sshll.u32 s28, $0x1;
	[dreg:$0x2] =	wrdreg s4  }
0xaf: {  	[dreg:$0x3] =	wrdreg s6  }
0xb0: {  	[dreg:$0x4] =	wrdreg $0xC0  }
0xb1: {  	_ =	task [dreg:s8], $0x5FFFF  }
0xb2: {  	[dreg:$0x1] =	wrdreg $0xFFFFFFFF  }
0xb3: {  	[dreg:$0x0] =	wrdreg $0x60  }
0xb4: {  	[dreg:$0x2] =	wrdreg s15  }
0xb5: {  	[dreg:$0x3] =	wrdreg s24  }
0xb6: {  	[dreg:$0x4] =	wrdreg s16  }
0xb7: {  	[dreg:$0x5] =	wrdreg $0x9  }
0xb8: {  	_ =	task.clear_ibuf [dreg:s8], $0x6FFFF;
	_ =	strace $0x90000046  }
0xb9: {  	s29 =	simm.s32 $0x9;
	_ =	strace $0x80000048  }
0xba: {  	_ =	swait.ge [sflag:s29], $0x1  }
0xbb: {  	[sflag:s29] =	ssyncadd.s32 $0xFFFFFFFF  }
0xbc: {  	_ =	strace $0x90000048  }
0xbd: {  	_ =	sfence  }
0xbe: {  	s30 =	sld [smem:$0x0];
	_ =	sdelay $0x2  }
0xbf: {  	s31 =	sshll.u32 s1, $0xD;
	s1 =	sshrl.u32 s1, $0x2  }
0xc0: {  	s3 =	sand.u32 $0x4000, s31;
	s1 =	sadd.s32 s1, s30  }
0xc1: {  	s0 =	sor.u32 s3, s0;
	s1 =	sshll.u32 s1, $0x11  }
0xc2: {  	s0 =	sor.u32 s1, s0  }
0xc3: {  	s0 =	sadd.s32 $0x8F2B, s0  }
0xc4: {  	[sflag:s0] =	ssyncadd.remote.s32 $0x1  }
0xc5: {  	_ =	sfence.sel $0xFFFF  }
0xc6: {  	[dreg:$0x0] =	wrdreg $0xFFFFFFFF;
	(pc) =	sbr.abs _section_cstart, $3  }
0xc7: {  	[dreg:$0x1] =	wrdreg $0xFFFFFFFF  }
0xc8: {  	_ =	task.clear_ibuf [dreg:s8], $0x2FFFF;
	_ =	strace $0x9FFFFFFF  }
0xc9: {  	(tm) =	ssettm $0x7FFFFFFF  }
tec
execute0_lowered:
.L_overlay_start_1:
0x0: {  	(tag) =	ssettag $0x1  }
0x1: {  	s1 =	rddreg [dreg:$0x0];
	s0 =	srdreg.scid  }
0x2: {  	s2 =	rddreg [dreg:$0x1];
	s3 =	stileid.u32  }
0x3: {  	s4 =	rddreg [dreg:$0x2];
	s15 =	simm.s32 $0x2;
	s16 =	simm.s32 $0x3  }
0x4: {  	s17 =	simm.s32 $0x4;
	s19 =	simm.s32 $0xA00;
	s20 =	simm.s32 $0x1200  }
0x5: {  	s21 =	simm.s32 $0x1A00;
	s22 =	simm.s32 $0x2200;
	s28 =	simm.s32 $0x3A00  }
0x6: {  	s29 =	simm.s32 $0x4200;
	s30 =	simm.s32 $0x4A00;
	s31 =	simm.s32 $0x5200  }
0x7: {  	s8 =	simm.s32 $0x6A00;
	s9 =	simm.s32 $0x7200;
	s10 =	simm.s32 $0x7A00  }
0x8: {  	s11 =	simm.s32 $0x8A00;
	s12 =	simm.s32 $0x9A00;
	s0 =	sand.u32 $0x1, s0  }
0x9: {  	s13 =	simm.s32 $0xA200;
	s5 =	sshll.u32 s3, $0xA;
	s6 =	sshll.u32 s0, $0x9  }
0xa: {  	s14 =	simm.s32 $0xAA00;
	s3 =	simm.s32 $0x0;
	s5 =	sor.u32 s6, s5  }
0xb: {  	[smem:$0x7FF] =	sst s3;
	s0 =	ssub.s32 $0x2, s0;
	s6 =	sshrl.u32 s5, $0x3  }
0xc: {  	_ =	strace $0x80000047;
	s5 =	sshll.u32 s5, $0x5;
	s2 =	sadd.s32 s2, s6  }
0xd: {  	s24 =	sshrl.u32 s0, $0x1;
	s4 =	sadd.s32 s4, s5;
	[dreg:$0x4] =	wrdreg s2  }
0xe: {  	s0 =	ssub.s32 s0, s24;
	s23 =	sadd.s32 $0x1000, s4;
	[dreg:$0x8] =	wrdreg s4  }
0xf: {  	s24 =	simm.s32 $0x200;
	s25 =	sadd.s32 $0x2000, s4;
	[dreg:$0x5] =	wrdreg s23  }
0x10: {  	v2 =	vlaneseq.u32;
	s5 =	smax.u32 s0, $0x1;
	s26 =	sadd.s32 $0x3000, s4;
	[dreg:$0x6] =	wrdreg s25  }
0x11: {  	vm0 =	vmmov $0xffff;
	v1 =	vshrl.u32 v2, $0x3;
	s6 =	simm.s32 $0x6200;
	s2 =	simm.s32 $0x5A00;
	[dreg:$0x7] =	wrdreg s26  }
0x12: {  	v0 =	vand.u32 $0x7, v2;
	v2 =	vor.u32 $0x8, v2;
	v1 =	vmul.u32 $0x8, v1;
	s25 =	simm.s32 $0x2A00;
	s26 =	simm.s32 $0x3200;
	s23 =	simm.s32 $0x8200  }
.LBB2_1:
0x13: {  	s18 =	rddreg [dreg:$0x4];
	s0 =	simm.s32 $0x5  }
0x14: {  	[tilespmem:s3], [sflag:$0x5] =	stream.linear.gather [hbm4b:s18+s3], $0x200, $0x38;
	[tilespmem:$0x10200] =	vst v63  }
0x15: {  	_ =	swait.ge [sflag:s0], $0x200  }
0x16: {  	[sflag:s0] =	ssyncset.done $0x0  }
0x17: {  	[sflag:s0] =	ssyncadd.s32 $0xFFFFFE00  }
0x18: {  	v3 =	vld [tilespmem:$0x0];
	_ =	sdelay $0x4  }
0x19: {  	v4 =	vshll.u32 v3, $0x1  }
0x1a: {  	v3 =	vand.u32 $0x7, v3;
	v4 =	vand.u32 $0xFFFFFFF0, v4  }
0x1b: {  	v3 =	vor.u32 v3, v4  }
0x1c: {  	v4 =	vperm.xlane v3, v0;
	_ =	sdelay $0x1  }
0x1d: {  	v3 =	vperm.xlane v3, v2;
	v4 =	vadd.s32 v1, v4;
	_ =	sdelay $0x1  }
0x1e: {  	v3 =	vadd.s32 v1, v3;
	_ =	sdelay $0x2  }
0x1f: {  	[tilespmem:s24], [sflag:$0x1] =	stream.indirect_vreg.gather [hbm4b:s1+s3], $0x80, v4, vm0, $0xb8;
	[tilespmem:$0x10200] =	vst v63  }
0x20: {  	_ = 	snop  }
0x21: {  	[tilespmem:s19], [sflag:$0x1] =	stream.indirect_vreg.gather [hbm4b:s1+s3], $0x80, v3, vm0, $0xb8;
	[tilespmem:$0x10200] =	vst v63  }
0x22: {  	v3 =	vld [tilespmem:$0x10];
	_ =	sdelay $0x4  }
0x23: {  	v33 =	vshll.u32 v3, $0x1  }
0x24: {  	v3 =	vand.u32 $0x7, v3;
	v4 =	vand.u32 $0xFFFFFFF0, v33  }
0x25: {  	v3 =	vor.u32 v3, v4  }
0x26: {  	v4 =	vperm.xlane v3, v0;
	_ =	sdelay $0x1  }
0x27: {  	v3 =	vperm.xlane v3, v2;
	v4 =	vadd.s32 v1, v4;
	_ =	sdelay $0x1  }
0x28: {  	v3 =	vadd.s32 v1, v3;
	_ =	sdelay $0x2  }
0x29: {  	[tilespmem:s20], [sflag:$0x1] =	stream.indirect_vreg.gather [hbm4b:s1+s3], $0x80, v4, vm0, $0xb8;
	[tilespmem:$0x10200] =	vst v63  }
0x2a: {  	_ = 	snop  }
0x2b: {  	[tilespmem:s21], [sflag:$0x1] =	stream.indirect_vreg.gather [hbm4b:s1+s3], $0x80, v3, vm0, $0xb8;
	[tilespmem:$0x10200] =	vst v63  }
0x2c: {  	v3 =	vld [tilespmem:$0x20];
	_ =	sdelay $0x4  }
0x2d: {  	v34 =	vshll.u32 v3, $0x1  }
0x2e: {  	v3 =	vand.u32 $0x7, v3;
	v4 =	vand.u32 $0xFFFFFFF0, v34  }
0x2f: {  	v3 =	vor.u32 v3, v4  }
0x30: {  	v4 =	vperm.xlane v3, v0;
	_ =	sdelay $0x1  }
0x31: {  	v3 =	vperm.xlane v3, v2;
	v4 =	vadd.s32 v1, v4;
	_ =	sdelay $0x1  }
0x32: {  	v3 =	vadd.s32 v1, v3;
	_ =	sdelay $0x2  }
0x33: {  	[tilespmem:s22], [sflag:$0x1] =	stream.indirect_vreg.gather [hbm4b:s1+s3], $0x80, v4, vm0, $0xb8;
	[tilespmem:$0x10200] =	vst v63  }
0x34: {  	_ = 	snop  }
0x35: {  	[tilespmem:s25], [sflag:$0x1] =	stream.indirect_vreg.gather [hbm4b:s1+s3], $0x80, v3, vm0, $0xb8;
	[tilespmem:$0x10200] =	vst v63  }
0x36: {  	v3 =	vld [tilespmem:$0x30];
	_ =	sdelay $0x4  }
0x37: {  	v35 =	vshll.u32 v3, $0x1  }
0x38: {  	v3 =	vand.u32 $0x7, v3;
	v4 =	vand.u32 $0xFFFFFFF0, v35  }
0x39: {  	v3 =	vor.u32 v3, v4  }
0x3a: {  	v4 =	vperm.xlane v3, v0;
	_ =	sdelay $0x1  }
0x3b: {  	v3 =	vperm.xlane v3, v2;
	v4 =	vadd.s32 v1, v4;
	_ =	sdelay $0x1  }
0x3c: {  	v3 =	vadd.s32 v1, v3;
	_ =	sdelay $0x2  }
0x3d: {  	[tilespmem:s26], [sflag:$0x1] =	stream.indirect_vreg.gather [hbm4b:s1+s3], $0x80, v4, vm0, $0xb8;
	[tilespmem:$0x10200] =	vst v63  }
0x3e: {  	_ = 	snop  }
0x3f: {  	[tilespmem:s28], [sflag:$0x1] =	stream.indirect_vreg.gather [hbm4b:s1+s3], $0x80, v3, vm0, $0xb8;
	[tilespmem:$0x10200] =	vst v63  }
0x40: {  	v3 =	vld [tilespmem:$0x40];
	_ =	sdelay $0x4  }
0x41: {  	v36 =	vshll.u32 v3, $0x1  }
0x42: {  	v3 =	vand.u32 $0x7, v3;
	v4 =	vand.u32 $0xFFFFFFF0, v36  }
0x43: {  	v3 =	vor.u32 v3, v4  }
0x44: {  	v4 =	vperm.xlane v3, v0;
	_ =	sdelay $0x1  }
0x45: {  	v3 =	vperm.xlane v3, v2;
	v4 =	vadd.s32 v1, v4;
	_ =	sdelay $0x1  }
0x46: {  	v3 =	vadd.s32 v1, v3;
	_ =	sdelay $0x2  }
0x47: {  	[tilespmem:s29], [sflag:$0x1] =	stream.indirect_vreg.gather [hbm4b:s1+s3], $0x80, v4, vm0, $0xb8;
	[tilespmem:$0x10200] =	vst v63  }
0x48: {  	_ = 	snop  }
0x49: {  	[tilespmem:s30], [sflag:$0x1] =	stream.indirect_vreg.gather [hbm4b:s1+s3], $0x80, v3, vm0, $0xb8;
	[tilespmem:$0x10200] =	vst v63  }
0x4a: {  	v3 =	vld [tilespmem:$0x50];
	_ =	sdelay $0x4  }
0x4b: {  	v37 =	vshll.u32 v3, $0x1  }
0x4c: {  	v3 =	vand.u32 $0x7, v3;
	v4 =	vand.u32 $0xFFFFFFF0, v37  }
0x4d: {  	v3 =	vor.u32 v3, v4  }
0x4e: {  	v4 =	vperm.xlane v3, v0;
	_ =	sdelay $0x1  }
0x4f: {  	v3 =	vperm.xlane v3, v2;
	v4 =	vadd.s32 v1, v4;
	_ =	sdelay $0x1  }
0x50: {  	v3 =	vadd.s32 v1, v3;
	_ =	sdelay $0x2  }
0x51: {  	[tilespmem:s31], [sflag:$0x1] =	stream.indirect_vreg.gather [hbm4b:s1+s3], $0x80, v4, vm0, $0xb8;
	[tilespmem:$0x10200] =	vst v63  }
0x52: {  	_ = 	snop  }
0x53: {  	[tilespmem:s2], [sflag:$0x1] =	stream.indirect_vreg.gather [hbm4b:s1+s3], $0x80, v3, vm0, $0xb8;
	[tilespmem:$0x10200] =	vst v63  }
0x54: {  	v3 =	vld [tilespmem:$0x60];
	_ =	sdelay $0x4  }
0x55: {  	v38 =	vshll.u32 v3, $0x1  }
0x56: {  	v3 =	vand.u32 $0x7, v3;
	v4 =	vand.u32 $0xFFFFFFF0, v38  }
0x57: {  	v3 =	vor.u32 v3, v4  }
0x58: {  	v4 =	vperm.xlane v3, v0;
	_ =	sdelay $0x1  }
0x59: {  	v3 =	vperm.xlane v3, v2;
	v4 =	vadd.s32 v1, v4;
	_ =	sdelay $0x1  }
0x5a: {  	v3 =	vadd.s32 v1, v3;
	_ =	sdelay $0x2  }
0x5b: {  	[tilespmem:s6], [sflag:$0x1] =	stream.indirect_vreg.gather [hbm4b:s1+s3], $0x80, v4, vm0, $0xb8;
	[tilespmem:$0x10200] =	vst v63  }
0x5c: {  	_ = 	snop  }
0x5d: {  	[tilespmem:s8], [sflag:$0x1] =	stream.indirect_vreg.gather [hbm4b:s1+s3], $0x80, v3, vm0, $0xb8;
	[tilespmem:$0x10200] =	vst v63  }
0x5e: {  	v3 =	vld [tilespmem:$0x70];
	_ =	sdelay $0x4  }
0x5f: {  	v39 =	vshll.u32 v3, $0x1  }
0x60: {  	v3 =	vand.u32 $0x7, v3;
	v4 =	vand.u32 $0xFFFFFFF0, v39  }
0x61: {  	v3 =	vor.u32 v3, v4  }
0x62: {  	v4 =	vperm.xlane v3, v0;
	_ =	sdelay $0x1  }
0x63: {  	v3 =	vperm.xlane v3, v2;
	v4 =	vadd.s32 v1, v4;
	_ =	sdelay $0x1  }
0x64: {  	v3 =	vadd.s32 v1, v3;
	_ =	sdelay $0x2  }
0x65: {  	[tilespmem:s9], [sflag:$0x1] =	stream.indirect_vreg.gather [hbm4b:s1+s3], $0x80, v4, vm0, $0xb8;
	[tilespmem:$0x10200] =	vst v63  }
0x66: {  	s0 =	simm.s32 $0x1  }
0x67: {  	[tilespmem:s10], [sflag:$0x1] =	stream.indirect_vreg.gather [hbm4b:s1+s3], $0x80, v3, vm0, $0xb8;
	[tilespmem:$0x10200] =	vst v63  }
0x68: {  	_ =	swait.ge [sflag:s0], $0x8000  }
0x69: {  	[sflag:s0] =	ssyncset.done $0x0  }
0x6a: {  	s4 =	rddreg [dreg:$0x8];
	[sflag:s0] =	ssyncadd.s32 $0xFFFF8000  }
0x6b: {  	[hbm4b:s4+s3] =	stream.linear.scatter [tilespmem:s24], [sflag:$0x3], $0x8000, $0x38;
	[tilespmem:$0x10200] =	vst v63  }
0x6c: {  	v3 =	vld [tilespmem:$0x80];
	_ =	sdelay $0x4  }
0x6d: {  	v40 =	vshll.u32 v3, $0x1  }
0x6e: {  	v3 =	vand.u32 $0x7, v3;
	v4 =	vand.u32 $0xFFFFFFF0, v40  }
0x6f: {  	v3 =	vor.u32 v3, v4  }
0x70: {  	v4 =	vperm.xlane v3, v0;
	_ =	sdelay $0x1  }
0x71: {  	v3 =	vperm.xlane v3, v2;
	v4 =	vadd.s32 v1, v4;
	_ =	sdelay $0x1  }
0x72: {  	v3 =	vadd.s32 v1, v3;
	_ =	sdelay $0x2  }
0x73: {  	[tilespmem:s23], [sflag:$0x2] =	stream.indirect_vreg.gather [hbm4b:s1+s3], $0x80, v4, vm0, $0xb8;
	[tilespmem:$0x10200] =	vst v63  }
0x74: {  	_ = 	snop  }
0x75: {  	[tilespmem:s11], [sflag:$0x2] =	stream.indirect_vreg.gather [hbm4b:s1+s3], $0x80, v3, vm0, $0xb8;
	[tilespmem:$0x10200] =	vst v63  }
0x76: {  	v3 =	vld [tilespmem:$0x90];
	_ =	sdelay $0x4  }
0x77: {  	v41 =	vshll.u32 v3, $0x1  }
0x78: {  	v3 =	vand.u32 $0x7, v3;
	v4 =	vand.u32 $0xFFFFFFF0, v41  }
0x79: {  	v3 =	vor.u32 v3, v4  }
0x7a: {  	v4 =	vperm.xlane v3, v0;
	_ =	sdelay $0x1  }
0x7b: {  	v3 =	vperm.xlane v3, v2;
	v4 =	vadd.s32 v1, v4;
	_ =	sdelay $0x1  }
0x7c: {  	v3 =	vadd.s32 v1, v3;
	_ =	sdelay $0x1  }
0x7d: {  	s4 =	simm.s32 $0x9200  }
0x7e: {  	[tilespmem:s4], [sflag:$0x2] =	stream.indirect_vreg.gather [hbm4b:s1+s3], $0x80, v4, vm0, $0xb8;
	[tilespmem:$0x10200] =	vst v63  }
0x7f: {  	_ = 	snop  }
0x80: {  	[tilespmem:s12], [sflag:$0x2] =	stream.indirect_vreg.gather [hbm4b:s1+s3], $0x80, v3, vm0, $0xb8;
	[tilespmem:$0x10200] =	vst v63  }
0x81: {  	v3 =	vld [tilespmem:$0xA0];
	_ =	sdelay $0x4  }
0x82: {  	v42 =	vshll.u32 v3, $0x1  }
0x83: {  	v3 =	vand.u32 $0x7, v3;
	v4 =	vand.u32 $0xFFFFFFF0, v42  }
0x84: {  	v3 =	vor.u32 v3, v4  }
0x85: {  	v4 =	vperm.xlane v3, v0;
	_ =	sdelay $0x1  }
0x86: {  	v3 =	vperm.xlane v3, v2;
	v4 =	vadd.s32 v1, v4;
	_ =	sdelay $0x1  }
0x87: {  	v3 =	vadd.s32 v1, v3;
	_ =	sdelay $0x2  }
0x88: {  	[tilespmem:s13], [sflag:$0x2] =	stream.indirect_vreg.gather [hbm4b:s1+s3], $0x80, v4, vm0, $0xb8;
	[tilespmem:$0x10200] =	vst v63  }
0x89: {  	_ = 	snop  }
0x8a: {  	[tilespmem:s14], [sflag:$0x2] =	stream.indirect_vreg.gather [hbm4b:s1+s3], $0x80, v3, vm0, $0xb8;
	[tilespmem:$0x10200] =	vst v63  }
0x8b: {  	v3 =	vld [tilespmem:$0xB0];
	_ =	sdelay $0x4  }
0x8c: {  	v43 =	vshll.u32 v3, $0x1  }
0x8d: {  	v3 =	vand.u32 $0x7, v3;
	v4 =	vand.u32 $0xFFFFFFF0, v43  }
0x8e: {  	v3 =	vor.u32 v3, v4  }
0x8f: {  	v4 =	vperm.xlane v3, v0;
	_ =	sdelay $0x1  }
0x90: {  	v3 =	vperm.xlane v3, v2;
	v4 =	vadd.s32 v1, v4;
	_ =	sdelay $0x1  }
0x91: {  	v3 =	vadd.s32 v1, v3;
	_ =	sdelay $0x1  }
0x92: {  	s7 =	simm.s32 $0xB200  }
0x93: {  	[tilespmem:s7], [sflag:$0x2] =	stream.indirect_vreg.gather [hbm4b:s1+s3], $0x80, v4, vm0, $0xb8;
	[tilespmem:$0x10200] =	vst v63  }
0x94: {  	s7 =	simm.s32 $0xBA00  }
0x95: {  	[tilespmem:s7], [sflag:$0x2] =	stream.indirect_vreg.gather [hbm4b:s1+s3], $0x80, v3, vm0, $0xb8;
	[tilespmem:$0x10200] =	vst v63  }
0x96: {  	v3 =	vld [tilespmem:$0xC0];
	_ =	sdelay $0x4  }
0x97: {  	v44 =	vshll.u32 v3, $0x1  }
0x98: {  	v3 =	vand.u32 $0x7, v3;
	v4 =	vand.u32 $0xFFFFFFF0, v44  }
0x99: {  	v3 =	vor.u32 v3, v4  }
0x9a: {  	v4 =	vperm.xlane v3, v0;
	_ =	sdelay $0x1  }
0x9b: {  	v3 =	vperm.xlane v3, v2;
	v4 =	vadd.s32 v1, v4;
	_ =	sdelay $0x1  }
0x9c: {  	v3 =	vadd.s32 v1, v3;
	_ =	sdelay $0x1  }
0x9d: {  	s18 =	simm.s32 $0xC200  }
0x9e: {  	[tilespmem:s18], [sflag:$0x2] =	stream.indirect_vreg.gather [hbm4b:s1+s3], $0x80, v4, vm0, $0xb8;
	[tilespmem:$0x10200] =	vst v63  }
0x9f: {  	s18 =	simm.s32 $0xCA00  }
0xa0: {  	[tilespmem:s18], [sflag:$0x2] =	stream.indirect_vreg.gather [hbm4b:s1+s3], $0x80, v3, vm0, $0xb8;
	[tilespmem:$0x10200] =	vst v63  }
0xa1: {  	v3 =	vld [tilespmem:$0xD0];
	_ =	sdelay $0x4  }
0xa2: {  	v45 =	vshll.u32 v3, $0x1  }
0xa3: {  	v3 =	vand.u32 $0x7, v3;
	v4 =	vand.u32 $0xFFFFFFF0, v45  }
0xa4: {  	v3 =	vor.u32 v3, v4  }
0xa5: {  	v4 =	vperm.xlane v3, v0;
	_ =	sdelay $0x1  }
0xa6: {  	v3 =	vperm.xlane v3, v2;
	v4 =	vadd.s32 v1, v4;
	_ =	sdelay $0x1  }
0xa7: {  	v3 =	vadd.s32 v1, v3;
	_ =	sdelay $0x1  }
0xa8: {  	s18 =	simm.s32 $0xD200  }
0xa9: {  	[tilespmem:s18], [sflag:$0x2] =	stream.indirect_vreg.gather [hbm4b:s1+s3], $0x80, v4, vm0, $0xb8;
	[tilespmem:$0x10200] =	vst v63  }
0xaa: {  	s18 =	simm.s32 $0xDA00  }
0xab: {  	[tilespmem:s18], [sflag:$0x2] =	stream.indirect_vreg.gather [hbm4b:s1+s3], $0x80, v3, vm0, $0xb8;
	[tilespmem:$0x10200] =	vst v63  }
0xac: {  	v3 =	vld [tilespmem:$0xE0];
	_ =	sdelay $0x4  }
0xad: {  	v46 =	vshll.u32 v3, $0x1  }
0xae: {  	v3 =	vand.u32 $0x7, v3;
	v4 =	vand.u32 $0xFFFFFFF0, v46  }
0xaf: {  	v3 =	vor.u32 v3, v4  }
0xb0: {  	v4 =	vperm.xlane v3, v0;
	_ =	sdelay $0x1  }
0xb1: {  	v3 =	vperm.xlane v3, v2;
	v4 =	vadd.s32 v1, v4;
	_ =	sdelay $0x1  }
0xb2: {  	v3 =	vadd.s32 v1, v3;
	_ =	sdelay $0x1  }
0xb3: {  	s18 =	simm.s32 $0xE200  }
0xb4: {  	[tilespmem:s18], [sflag:$0x2] =	stream.indirect_vreg.gather [hbm4b:s1+s3], $0x80, v4, vm0, $0xb8;
	[tilespmem:$0x10200] =	vst v63  }
0xb5: {  	s18 =	simm.s32 $0xEA00  }
0xb6: {  	[tilespmem:s18], [sflag:$0x2] =	stream.indirect_vreg.gather [hbm4b:s1+s3], $0x80, v3, vm0, $0xb8;
	[tilespmem:$0x10200] =	vst v63  }
0xb7: {  	v3 =	vld [tilespmem:$0xF0];
	_ =	sdelay $0x4  }
0xb8: {  	v47 =	vshll.u32 v3, $0x1  }
0xb9: {  	v3 =	vand.u32 $0x7, v3;
	v4 =	vand.u32 $0xFFFFFFF0, v47  }
0xba: {  	v3 =	vor.u32 v3, v4  }
0xbb: {  	v4 =	vperm.xlane v3, v0;
	_ =	sdelay $0x1  }
0xbc: {  	v3 =	vperm.xlane v3, v2;
	v4 =	vadd.s32 v1, v4;
	_ =	sdelay $0x1  }
0xbd: {  	v3 =	vadd.s32 v1, v3;
	_ =	sdelay $0x1  }
0xbe: {  	s18 =	simm.s32 $0xF200  }
0xbf: {  	[tilespmem:s18], [sflag:$0x2] =	stream.indirect_vreg.gather [hbm4b:s1+s3], $0x80, v4, vm0, $0xb8;
	[tilespmem:$0x10200] =	vst v63  }
0xc0: {  	s18 =	simm.s32 $0xFA00  }
0xc1: {  	[tilespmem:s18], [sflag:$0x2] =	stream.indirect_vreg.gather [hbm4b:s1+s3], $0x80, v3, vm0, $0xb8;
	[tilespmem:$0x10200] =	vst v63  }
0xc2: {  	_ =	swait.ge [sflag:s15], $0x8000  }
0xc3: {  	[sflag:s15] =	ssyncset.done $0x0  }
0xc4: {  	s18 =	rddreg [dreg:$0x5];
	[sflag:s15] =	ssyncadd.s32 $0xFFFF8000  }
0xc5: {  	[hbm4b:s18+s3] =	stream.linear.scatter [tilespmem:s23], [sflag:$0x4], $0x8000, $0x38;
	[tilespmem:$0x10200] =	vst v63  }
0xc6: {  	_ =	swait.ge [sflag:s16], $0x8000  }
0xc7: {  	[sflag:s16] =	ssyncset.done $0x0  }
0xc8: {  	[sflag:s16] =	ssyncadd.s32 $0xFFFF8000  }
0xc9: {  	v3 =	vld [tilespmem:$0x100];
	_ =	sdelay $0x4  }
0xca: {  	v48 =	vshll.u32 v3, $0x1  }
0xcb: {  	v3 =	vand.u32 $0x7, v3;
	v4 =	vand.u32 $0xFFFFFFF0, v48  }
0xcc: {  	v3 =	vor.u32 v3, v4  }
0xcd: {  	v4 =	vperm.xlane v3, v0;
	_ =	sdelay $0x1  }
0xce: {  	v3 =	vperm.xlane v3, v2;
	v4 =	vadd.s32 v1, v4;
	_ =	sdelay $0x1  }
0xcf: {  	v3 =	vadd.s32 v1, v3;
	_ =	sdelay $0x2  }
0xd0: {  	[tilespmem:s24], [sflag:$0x1] =	stream.indirect_vreg.gather [hbm4b:s1+s3], $0x80, v4, vm0, $0xb8;
	[tilespmem:$0x10200] =	vst v63  }
0xd1: {  	_ = 	snop  }
0xd2: {  	[tilespmem:s19], [sflag:$0x1] =	stream.indirect_vreg.gather [hbm4b:s1+s3], $0x80, v3, vm0, $0xb8;
	[tilespmem:$0x10200] =	vst v63  }
0xd3: {  	v3 =	vld [tilespmem:$0x110];
	_ =	sdelay $0x4  }
0xd4: {  	v49 =	vshll.u32 v3, $0x1  }
0xd5: {  	v3 =	vand.u32 $0x7, v3;
	v4 =	vand.u32 $0xFFFFFFF0, v49  }
0xd6: {  	v3 =	vor.u32 v3, v4  }
0xd7: {  	v4 =	vperm.xlane v3, v0;
	_ =	sdelay $0x1  }
0xd8: {  	v3 =	vperm.xlane v3, v2;
	v4 =	vadd.s32 v1, v4;
	_ =	sdelay $0x1  }
0xd9: {  	v3 =	vadd.s32 v1, v3;
	_ =	sdelay $0x2  }
0xda: {  	[tilespmem:s20], [sflag:$0x1] =	stream.indirect_vreg.gather [hbm4b:s1+s3], $0x80, v4, vm0, $0xb8;
	[tilespmem:$0x10200] =	vst v63  }
0xdb: {  	_ = 	snop  }
0xdc: {  	[tilespmem:s21], [sflag:$0x1] =	stream.indirect_vreg.gather [hbm4b:s1+s3], $0x80, v3, vm0, $0xb8;
	[tilespmem:$0x10200] =	vst v63  }
0xdd: {  	v3 =	vld [tilespmem:$0x120];
	_ =	sdelay $0x4  }
0xde: {  	v50 =	vshll.u32 v3, $0x1  }
0xdf: {  	v3 =	vand.u32 $0x7, v3;
	v4 =	vand.u32 $0xFFFFFFF0, v50  }
0xe0: {  	v3 =	vor.u32 v3, v4  }
0xe1: {  	v4 =	vperm.xlane v3, v0;
	_ =	sdelay $0x1  }
0xe2: {  	v3 =	vperm.xlane v3, v2;
	v4 =	vadd.s32 v1, v4;
	_ =	sdelay $0x1  }
0xe3: {  	v3 =	vadd.s32 v1, v3;
	_ =	sdelay $0x2  }
0xe4: {  	[tilespmem:s22], [sflag:$0x1] =	stream.indirect_vreg.gather [hbm4b:s1+s3], $0x80, v4, vm0, $0xb8;
	[tilespmem:$0x10200] =	vst v63  }
0xe5: {  	_ = 	snop  }
0xe6: {  	[tilespmem:s25], [sflag:$0x1] =	stream.indirect_vreg.gather [hbm4b:s1+s3], $0x80, v3, vm0, $0xb8;
	[tilespmem:$0x10200] =	vst v63  }
0xe7: {  	v3 =	vld [tilespmem:$0x130];
	_ =	sdelay $0x4  }
0xe8: {  	v51 =	vshll.u32 v3, $0x1  }
0xe9: {  	v3 =	vand.u32 $0x7, v3;
	v4 =	vand.u32 $0xFFFFFFF0, v51  }
0xea: {  	v3 =	vor.u32 v3, v4  }
0xeb: {  	v4 =	vperm.xlane v3, v0;
	_ =	sdelay $0x1  }
0xec: {  	v3 =	vperm.xlane v3, v2;
	v4 =	vadd.s32 v1, v4;
	_ =	sdelay $0x1  }
0xed: {  	v3 =	vadd.s32 v1, v3;
	_ =	sdelay $0x2  }
0xee: {  	[tilespmem:s26], [sflag:$0x1] =	stream.indirect_vreg.gather [hbm4b:s1+s3], $0x80, v4, vm0, $0xb8;
	[tilespmem:$0x10200] =	vst v63  }
0xef: {  	_ = 	snop  }
0xf0: {  	[tilespmem:s28], [sflag:$0x1] =	stream.indirect_vreg.gather [hbm4b:s1+s3], $0x80, v3, vm0, $0xb8;
	[tilespmem:$0x10200] =	vst v63  }
0xf1: {  	v3 =	vld [tilespmem:$0x140];
	_ =	sdelay $0x4  }
0xf2: {  	v52 =	vshll.u32 v3, $0x1  }
0xf3: {  	v3 =	vand.u32 $0x7, v3;
	v4 =	vand.u32 $0xFFFFFFF0, v52  }
0xf4: {  	v3 =	vor.u32 v3, v4  }
0xf5: {  	v4 =	vperm.xlane v3, v0;
	_ =	sdelay $0x1  }
0xf6: {  	v3 =	vperm.xlane v3, v2;
	v4 =	vadd.s32 v1, v4;
	_ =	sdelay $0x1  }
0xf7: {  	v3 =	vadd.s32 v1, v3;
	_ =	sdelay $0x2  }
0xf8: {  	[tilespmem:s29], [sflag:$0x1] =	stream.indirect_vreg.gather [hbm4b:s1+s3], $0x80, v4, vm0, $0xb8;
	[tilespmem:$0x10200] =	vst v63  }
0xf9: {  	_ = 	snop  }
0xfa: {  	[tilespmem:s30], [sflag:$0x1] =	stream.indirect_vreg.gather [hbm4b:s1+s3], $0x80, v3, vm0, $0xb8;
	[tilespmem:$0x10200] =	vst v63  }
0xfb: {  	v3 =	vld [tilespmem:$0x150];
	_ =	sdelay $0x4  }
0xfc: {  	v53 =	vshll.u32 v3, $0x1  }
0xfd: {  	v3 =	vand.u32 $0x7, v3;
	v4 =	vand.u32 $0xFFFFFFF0, v53  }
0xfe: {  	v3 =	vor.u32 v3, v4  }
0xff: {  	v4 =	vperm.xlane v3, v0;
	_ =	sdelay $0x1  }
0x100: {  	v3 =	vperm.xlane v3, v2;
	v4 =	vadd.s32 v1, v4;
	_ =	sdelay $0x1  }
0x101: {  	v3 =	vadd.s32 v1, v3;
	_ =	sdelay $0x2  }
0x102: {  	[tilespmem:s31], [sflag:$0x1] =	stream.indirect_vreg.gather [hbm4b:s1+s3], $0x80, v4, vm0, $0xb8;
	[tilespmem:$0x10200] =	vst v63  }
0x103: {  	_ = 	snop  }
0x104: {  	[tilespmem:s2], [sflag:$0x1] =	stream.indirect_vreg.gather [hbm4b:s1+s3], $0x80, v3, vm0, $0xb8;
	[tilespmem:$0x10200] =	vst v63  }
0x105: {  	v3 =	vld [tilespmem:$0x160];
	_ =	sdelay $0x4  }
0x106: {  	v54 =	vshll.u32 v3, $0x1  }
0x107: {  	v3 =	vand.u32 $0x7, v3;
	v4 =	vand.u32 $0xFFFFFFF0, v54  }
0x108: {  	v3 =	vor.u32 v3, v4  }
0x109: {  	v4 =	vperm.xlane v3, v0;
	_ =	sdelay $0x1  }
0x10a: {  	v3 =	vperm.xlane v3, v2;
	v4 =	vadd.s32 v1, v4;
	_ =	sdelay $0x1  }
0x10b: {  	v3 =	vadd.s32 v1, v3;
	_ =	sdelay $0x2  }
0x10c: {  	[tilespmem:s6], [sflag:$0x1] =	stream.indirect_vreg.gather [hbm4b:s1+s3], $0x80, v4, vm0, $0xb8;
	[tilespmem:$0x10200] =	vst v63  }
0x10d: {  	_ = 	snop  }
0x10e: {  	[tilespmem:s8], [sflag:$0x1] =	stream.indirect_vreg.gather [hbm4b:s1+s3], $0x80, v3, vm0, $0xb8;
	[tilespmem:$0x10200] =	vst v63  }
0x10f: {  	v3 =	vld [tilespmem:$0x170];
	_ =	sdelay $0x4  }
0x110: {  	v55 =	vshll.u32 v3, $0x1  }
0x111: {  	v3 =	vand.u32 $0x7, v3;
	v4 =	vand.u32 $0xFFFFFFF0, v55  }
0x112: {  	v3 =	vor.u32 v3, v4  }
0x113: {  	v4 =	vperm.xlane v3, v0;
	_ =	sdelay $0x1  }
0x114: {  	v3 =	vperm.xlane v3, v2;
	v4 =	vadd.s32 v1, v4;
	_ =	sdelay $0x1  }
0x115: {  	v3 =	vadd.s32 v1, v3;
	_ =	sdelay $0x2  }
0x116: {  	[tilespmem:s9], [sflag:$0x1] =	stream.indirect_vreg.gather [hbm4b:s1+s3], $0x80, v4, vm0, $0xb8;
	[tilespmem:$0x10200] =	vst v63  }
0x117: {  	_ = 	snop  }
0x118: {  	[tilespmem:s10], [sflag:$0x1] =	stream.indirect_vreg.gather [hbm4b:s1+s3], $0x80, v3, vm0, $0xb8;
	[tilespmem:$0x10200] =	vst v63  }
0x119: {  	_ =	swait.ge [sflag:s0], $0x8000  }
0x11a: {  	[sflag:s0] =	ssyncset.done $0x0  }
0x11b: {  	s18 =	rddreg [dreg:$0x6];
	[sflag:s0] =	ssyncadd.s32 $0xFFFF8000  }
0x11c: {  	[hbm4b:s18+s3] =	stream.linear.scatter [tilespmem:s24], [sflag:$0x3], $0x8000, $0x38;
	[tilespmem:$0x10200] =	vst v63  }
0x11d: {  	_ =	swait.ge [sflag:s17], $0x8000  }
0x11e: {  	[sflag:s17] =	ssyncset.done $0x0  }
0x11f: {  	[sflag:s17] =	ssyncadd.s32 $0xFFFF8000  }
0x120: {  	v3 =	vld [tilespmem:$0x180];
	_ =	sdelay $0x4  }
0x121: {  	v56 =	vshll.u32 v3, $0x1  }
0x122: {  	v3 =	vand.u32 $0x7, v3;
	v4 =	vand.u32 $0xFFFFFFF0, v56  }
0x123: {  	v3 =	vor.u32 v3, v4  }
0x124: {  	v4 =	vperm.xlane v3, v0;
	_ =	sdelay $0x1  }
0x125: {  	v3 =	vperm.xlane v3, v2;
	v4 =	vadd.s32 v1, v4;
	_ =	sdelay $0x1  }
0x126: {  	v3 =	vadd.s32 v1, v3;
	_ =	sdelay $0x2  }
0x127: {  	[tilespmem:s23], [sflag:$0x2] =	stream.indirect_vreg.gather [hbm4b:s1+s3], $0x80, v4, vm0, $0xb8;
	[tilespmem:$0x10200] =	vst v63  }
0x128: {  	_ = 	snop  }
0x129: {  	[tilespmem:s11], [sflag:$0x2] =	stream.indirect_vreg.gather [hbm4b:s1+s3], $0x80, v3, vm0, $0xb8;
	[tilespmem:$0x10200] =	vst v63  }
0x12a: {  	v3 =	vld [tilespmem:$0x190];
	_ =	sdelay $0x4  }
0x12b: {  	v57 =	vshll.u32 v3, $0x1  }
0x12c: {  	v3 =	vand.u32 $0x7, v3;
	v4 =	vand.u32 $0xFFFFFFF0, v57  }
0x12d: {  	v3 =	vor.u32 v3, v4  }
0x12e: {  	v4 =	vperm.xlane v3, v0;
	_ =	sdelay $0x1  }
0x12f: {  	v3 =	vperm.xlane v3, v2;
	v4 =	vadd.s32 v1, v4;
	_ =	sdelay $0x1  }
0x130: {  	v3 =	vadd.s32 v1, v3;
	_ =	sdelay $0x2  }
0x131: {  	[tilespmem:s4], [sflag:$0x2] =	stream.indirect_vreg.gather [hbm4b:s1+s3], $0x80, v4, vm0, $0xb8;
	[tilespmem:$0x10200] =	vst v63  }
0x132: {  	_ = 	snop  }
0x133: {  	[tilespmem:s12], [sflag:$0x2] =	stream.indirect_vreg.gather [hbm4b:s1+s3], $0x80, v3, vm0, $0xb8;
	[tilespmem:$0x10200] =	vst v63  }
0x134: {  	v3 =	vld [tilespmem:$0x1A0];
	_ =	sdelay $0x4  }
0x135: {  	v58 =	vshll.u32 v3, $0x1  }
0x136: {  	v3 =	vand.u32 $0x7, v3;
	v4 =	vand.u32 $0xFFFFFFF0, v58  }
0x137: {  	v3 =	vor.u32 v3, v4  }
0x138: {  	v4 =	vperm.xlane v3, v0;
	_ =	sdelay $0x1  }
0x139: {  	v3 =	vperm.xlane v3, v2;
	v4 =	vadd.s32 v1, v4;
	_ =	sdelay $0x1  }
0x13a: {  	v3 =	vadd.s32 v1, v3;
	_ =	sdelay $0x2  }
0x13b: {  	[tilespmem:s13], [sflag:$0x2] =	stream.indirect_vreg.gather [hbm4b:s1+s3], $0x80, v4, vm0, $0xb8;
	[tilespmem:$0x10200] =	vst v63  }
0x13c: {  	_ = 	snop  }
0x13d: {  	[tilespmem:s14], [sflag:$0x2] =	stream.indirect_vreg.gather [hbm4b:s1+s3], $0x80, v3, vm0, $0xb8;
	[tilespmem:$0x10200] =	vst v63  }
0x13e: {  	v3 =	vld [tilespmem:$0x1B0];
	_ =	sdelay $0x4  }
0x13f: {  	v59 =	vshll.u32 v3, $0x1  }
0x140: {  	v3 =	vand.u32 $0x7, v3;
	v4 =	vand.u32 $0xFFFFFFF0, v59  }
0x141: {  	v3 =	vor.u32 v3, v4  }
0x142: {  	v4 =	vperm.xlane v3, v0;
	_ =	sdelay $0x1  }
0x143: {  	v3 =	vperm.xlane v3, v2;
	v4 =	vadd.s32 v1, v4;
	_ =	sdelay $0x1  }
0x144: {  	v3 =	vadd.s32 v1, v3;
	_ =	sdelay $0x1  }
0x145: {  	s4 =	simm.s32 $0xB200  }
0x146: {  	[tilespmem:s4], [sflag:$0x2] =	stream.indirect_vreg.gather [hbm4b:s1+s3], $0x80, v4, vm0, $0xb8;
	[tilespmem:$0x10200] =	vst v63  }
0x147: {  	_ = 	snop  }
0x148: {  	[tilespmem:s7], [sflag:$0x2] =	stream.indirect_vreg.gather [hbm4b:s1+s3], $0x80, v3, vm0, $0xb8;
	[tilespmem:$0x10200] =	vst v63  }
0x149: {  	v3 =	vld [tilespmem:$0x1C0];
	_ =	sdelay $0x4  }
0x14a: {  	v60 =	vshll.u32 v3, $0x1  }
0x14b: {  	v3 =	vand.u32 $0x7, v3;
	v4 =	vand.u32 $0xFFFFFFF0, v60  }
0x14c: {  	v3 =	vor.u32 v3, v4  }
0x14d: {  	v4 =	vperm.xlane v3, v0;
	_ =	sdelay $0x1  }
0x14e: {  	v3 =	vperm.xlane v3, v2;
	v4 =	vadd.s32 v1, v4;
	_ =	sdelay $0x1  }
0x14f: {  	v3 =	vadd.s32 v1, v3;
	_ =	sdelay $0x1  }
0x150: {  	s18 =	simm.s32 $0xC200  }
0x151: {  	[tilespmem:s18], [sflag:$0x2] =	stream.indirect_vreg.gather [hbm4b:s1+s3], $0x80, v4, vm0, $0xb8;
	[tilespmem:$0x10200] =	vst v63  }
0x152: {  	s4 =	simm.s32 $0xCA00  }
0x153: {  	[tilespmem:s4], [sflag:$0x2] =	stream.indirect_vreg.gather [hbm4b:s1+s3], $0x80, v3, vm0, $0xb8;
	[tilespmem:$0x10200] =	vst v63  }
0x154: {  	v3 =	vld [tilespmem:$0x1D0];
	_ =	sdelay $0x4  }
0x155: {  	v61 =	vshll.u32 v3, $0x1  }
0x156: {  	v3 =	vand.u32 $0x7, v3;
	v4 =	vand.u32 $0xFFFFFFF0, v61  }
0x157: {  	v3 =	vor.u32 v3, v4  }
0x158: {  	v4 =	vperm.xlane v3, v0;
	_ =	sdelay $0x1  }
0x159: {  	v3 =	vperm.xlane v3, v2;
	v4 =	vadd.s32 v1, v4;
	_ =	sdelay $0x1  }
0x15a: {  	v3 =	vadd.s32 v1, v3;
	_ =	sdelay $0x1  }
0x15b: {  	s7 =	simm.s32 $0xD200  }
0x15c: {  	[tilespmem:s7], [sflag:$0x2] =	stream.indirect_vreg.gather [hbm4b:s1+s3], $0x80, v4, vm0, $0xb8;
	[tilespmem:$0x10200] =	vst v63  }
0x15d: {  	s18 =	simm.s32 $0xDA00  }
0x15e: {  	[tilespmem:s18], [sflag:$0x2] =	stream.indirect_vreg.gather [hbm4b:s1+s3], $0x80, v3, vm0, $0xb8;
	[tilespmem:$0x10200] =	vst v63  }
0x15f: {  	v3 =	vld [tilespmem:$0x1E0];
	_ =	sdelay $0x4  }
0x160: {  	v62 =	vshll.u32 v3, $0x1  }
0x161: {  	v3 =	vand.u32 $0x7, v3;
	v4 =	vand.u32 $0xFFFFFFF0, v62  }
0x162: {  	v3 =	vor.u32 v3, v4  }
0x163: {  	v4 =	vperm.xlane v3, v0;
	_ =	sdelay $0x1  }
0x164: {  	v3 =	vperm.xlane v3, v2;
	v4 =	vadd.s32 v1, v4;
	_ =	sdelay $0x1  }
0x165: {  	v3 =	vadd.s32 v1, v3;
	_ =	sdelay $0x1  }
0x166: {  	s4 =	simm.s32 $0xE200  }
0x167: {  	[tilespmem:s4], [sflag:$0x2] =	stream.indirect_vreg.gather [hbm4b:s1+s3], $0x80, v4, vm0, $0xb8;
	[tilespmem:$0x10200] =	vst v63  }
0x168: {  	s7 =	simm.s32 $0xEA00  }
0x169: {  	[tilespmem:s7], [sflag:$0x2] =	stream.indirect_vreg.gather [hbm4b:s1+s3], $0x80, v3, vm0, $0xb8;
	[tilespmem:$0x10200] =	vst v63  }
0x16a: {  	v3 =	vld [tilespmem:$0x1F0];
	_ =	sdelay $0x4  }
0x16b: {  	v63 =	vshll.u32 v3, $0x1  }
0x16c: {  	v3 =	vand.u32 $0x7, v3;
	v4 =	vand.u32 $0xFFFFFFF0, v63  }
0x16d: {  	v3 =	vor.u32 v3, v4  }
0x16e: {  	v4 =	vperm.xlane v3, v0;
	_ =	sdelay $0x1  }
0x16f: {  	v3 =	vperm.xlane v3, v2;
	v4 =	vadd.s32 v1, v4;
	_ =	sdelay $0x1  }
0x170: {  	v3 =	vadd.s32 v1, v3;
	_ =	sdelay $0x1  }
0x171: {  	s18 =	simm.s32 $0xF200  }
0x172: {  	[tilespmem:s18], [sflag:$0x2] =	stream.indirect_vreg.gather [hbm4b:s1+s3], $0x80, v4, vm0, $0xb8;
	[tilespmem:$0x10200] =	vst v63  }
0x173: {  	s4 =	simm.s32 $0xFA00  }
0x174: {  	[tilespmem:s4], [sflag:$0x2] =	stream.indirect_vreg.gather [hbm4b:s1+s3], $0x80, v3, vm0, $0xb8;
	[tilespmem:$0x10200] =	vst v63  }
0x175: {  	_ =	swait.ge [sflag:s15], $0x8000  }
0x176: {  	[sflag:s15] =	ssyncset.done $0x0  }
0x177: {  	s7 =	rddreg [dreg:$0x7];
	[sflag:s15] =	ssyncadd.s32 $0xFFFF8000  }
0x178: {  	[hbm4b:s7+s3] =	stream.linear.scatter [tilespmem:s23], [sflag:$0x4], $0x8000, $0x38;
	[tilespmem:$0x10200] =	vst v63  }
0x179: {  	p0 =	sne.s32 s5, $0x1;
	_ =	swait.ge [sflag:s16], $0x8000  }
.Ltmp0:
0x17a: {  	[sflag:s16] =	ssyncset.done $0x0;
	(pc) =	sbr.rel @p0 .LBB2_1-.Ltmp0, $4  }
0x17b: {  	[sflag:s16] =	ssyncadd.s32 $0xFFFF8000  }
0x17c: {  	_ =	swait.ge [sflag:s17], $0x8000  }
0x17d: {  	[sflag:s17] =	ssyncset.done $0x0  }
0x17e: {  	s5 =	sadd.s32 $0xFFFFFFFF, s5;
	[sflag:s17] =	ssyncadd.s32 $0xFFFF8000  }
0x17f: {  	_ =	sfence.sel $0x180000  }
0x180: {  	[bflag:$0x0] =	sbarrier.arrive $0xFFFF  }
0x181: {  	_ =	strace $0x90000047  }
0x182: {  	s0 =	stileid.u32;
	[bflag:$0x2] =	sbarrier.arrive $0xFFFF  }
0x183: {  	p0 =	sne.s32 s0, $0x0;
	s0 =	rddreg [dreg:$0x3]  }
0x184: {  	s0 =	sadd.s32 @!p0 $0x100000, s0  }
0x185: {  	[sflag:s0] =	ssyncadd.tile.s32 @!p0 $0x1;
	_ =	shalt  }
.Lfunc_end2:
_tile_overlayer_lowered:
.L_overlay_start_2:
0x186: {  	(tag) =	ssettag $0x2  }
0x187: {  	s0 =	rddreg [dreg:$0x0];
	s2 =	stileid.u32  }
0x188: {  	s1 =	rddreg [dreg:$0x1];
	p0 =	sne.s32 s2, $0x0  }
0x189: {  	s3 =	rddreg [dreg:$0x2];
	[bflag:$0x3] =	sbarrier.arrive $0xFFFF;
	s2 =	simm.s32 @!p0 $0x1C05  }
0x18a: {  	[timem:s3], [sflag:s2] =	dma.local @!p0 [hbm:s0], s1  }
0x18b: {  	s0 =	simm.s32 @!p0 $0x5  }
0x18c: {  	_ =	swait.ge @!p0 [sflag:s0], s1  }
0x18d: {  	s1 =	ssub.s32 @!p0 $0x0, s1;
	[sflag:s0] =	ssyncset.done @!p0 $0x0  }
0x18e: {  	[sflag:s0] =	ssyncadd.s32 @!p0 s1  }
0x18f: {  	[bflag:$0x3] =	sbarrier.arrive $0xFFFF  }
0x190: {  	_ =	shalt  }

</sc_bundles>
